<compile_context>
chip_gen: v7x
topology: tpu7x:2x2x1
jax: 0.10.2.dev20260603
libtpu: 0.0.44.dev20260713+nightly
codegen_flags: <defaults>
</compile_context>

<pallas_src>
import functools

import jax
import jax.numpy as jnp
from jax import lax
from jax.experimental import pallas as pl
from jax.experimental.pallas import tpu as pltpu
from jax.experimental.pallas import tpu_sc as plsc

OUT_DIM = 1000
N = 16384

_NC = 2
_NS = 16
_NW = _NC * _NS
_ROWS_PER_W = N // _NW
_ZROWS = 64
_ZELEMS = _ZROWS * OUT_DIM
_NZDMA = _ROWS_PER_W // _ZROWS

_mesh = plsc.VectorSubcoreMesh(core_axis_name="c", subcore_axis_name="s")


@functools.partial(
    pl.kernel,
    mesh=_mesh,
    out_type=jax.ShapeDtypeStruct((N * OUT_DIM,), jnp.float32),
    scratch_types=[
        pltpu.VMEM((_ZELEMS,), jnp.float32),
        pltpu.VMEM((_ROWS_PER_W,), jnp.int32),
        pltpu.VMEM((_ZROWS,), jnp.float32),
    ]
    + [pltpu.VMEM((_ZROWS,), jnp.int32) for _ in range(_NZDMA)]
    + [pltpu.SemaphoreType.DMA for _ in range(_NZDMA)]
    + [pltpu.SemaphoreType.DMA],
)
def _sc_onehot(idx_hbm, out_hbm, zbuf, idx_v, ones_v, *rest):
    pos_refs = rest[:_NZDMA]
    zsems = rest[_NZDMA:2 * _NZDMA]
    ssem = rest[2 * _NZDMA]

    wid = lax.axis_index("s") * _NC + lax.axis_index("c")
    base = wid * _ROWS_PER_W

    pltpu.sync_copy(idx_hbm.at[pl.ds(base, _ROWS_PER_W)], idx_v)

    zeros16 = jnp.zeros((16,), jnp.float32)
    ones16 = jnp.ones((16,), jnp.float32)
    iota16 = lax.iota(jnp.int32, 16)

    for k in range(_NZDMA):
        pos_k = pos_refs[k]

        def _pos_body(g, carry, pos_k=pos_k, k=k):
            off = g * 16
            row = base + k * _ZROWS + off + iota16
            pos_k[pl.ds(off, 16)] = (
                row * OUT_DIM + idx_v[pl.ds(k * _ZROWS + off, 16)])
            return carry

        lax.fori_loop(0, _ZROWS // 16, _pos_body, 0)

    def _ones_body(g, carry):
        ones_v[pl.ds(g * 16, 16)] = ones16
        return carry

    lax.fori_loop(0, _ZROWS // 16, _ones_body, 0)

    def _zero_body(i, carry):
        b = i * 128
        for u in range(8):
            zbuf[pl.ds(b + u * 16, 16)] = zeros16
        return carry

    lax.fori_loop(0, _ZELEMS // 128, _zero_body, 0)

    copies = []
    for k in range(_NZDMA):
        dst = out_hbm.at[pl.ds((base + k * _ZROWS) * OUT_DIM, _ZELEMS)]
        copies.append(pltpu.async_copy(zbuf, dst, zsems[k]))

    scatters = []
    for k in range(_NZDMA):
        copies[k].wait()
        scatters.append(
            pltpu.async_copy(ones_v, out_hbm.at[pos_refs[k]], ssem))

    for s in scatters:
        s.wait()


def kernel(inputs):
    idx = inputs.astype(jnp.int32)
    flat = _sc_onehot(idx)
    return flat.reshape(N, OUT_DIM)

# --- scband reference (transcript-rebuilt; emitter-appended) ---
"""Pipeline reference for scband-random-guess-61555471287006 (READ-ONLY COPY).

The authoritative reference and input builder live on the scoring server;
editing this copy changes nothing except your own understanding.
"""

import jax, jax.numpy as jnp
import numpy as np

OUTPUT_DIM = 1000


def setup_inputs(seed: int = 0) -> dict:
    key = jax.random.key(seed)
    indices = jax.random.randint(key, (16384,), 0, OUTPUT_DIM, dtype=jnp.int32)
    return {"inputs": indices}


def reference(inputs) -> jnp.ndarray:
    # Faithful translation of RandomGuess.call: cast to int32, then one-hot.
    idx = inputs.astype(jnp.int32)
    return jax.nn.one_hot(idx, OUTPUT_DIM, dtype=jnp.float32)

if __name__ == "__main__":
    import jax
    _d = setup_inputs()
    print(jax.jit(kernel)(*tuple(_d.values())))

</pallas_src>

<mosaic_0001>
#map = affine_map<(d0, d1) -> (0)>
module attributes {stable_mosaic.version = 14 : i64} {
  func.func @_sc_onehot(%arg0: i32, %arg1: i32, %arg2: memref<16384xi32, #tpu.memory_space<hbm>>, %arg3: memref<16384000xf32, #tpu.memory_space<hbm>>, %arg4: memref<64000xf32, #tpu.memory_space<vmem>>, %arg5: memref<512xi32, #tpu.memory_space<vmem>>, %arg6: memref<64xf32, #tpu.memory_space<vmem>>, %arg7: memref<64xi32, #tpu.memory_space<vmem>>, %arg8: memref<64xi32, #tpu.memory_space<vmem>>, %arg9: memref<64xi32, #tpu.memory_space<vmem>>, %arg10: memref<64xi32, #tpu.memory_space<vmem>>, %arg11: memref<64xi32, #tpu.memory_space<vmem>>, %arg12: memref<64xi32, #tpu.memory_space<vmem>>, %arg13: memref<64xi32, #tpu.memory_space<vmem>>, %arg14: memref<64xi32, #tpu.memory_space<vmem>>, %arg15: memref<!tpu.dma_semaphore, #tpu.memory_space<semaphore_mem>>, %arg16: memref<!tpu.dma_semaphore, #tpu.memory_space<semaphore_mem>>, %arg17: memref<!tpu.dma_semaphore, #tpu.memory_space<semaphore_mem>>, %arg18: memref<!tpu.dma_semaphore, #tpu.memory_space<semaphore_mem>>, %arg19: memref<!tpu.dma_semaphore, #tpu.memory_space<semaphore_mem>>, %arg20: memref<!tpu.dma_semaphore, #tpu.memory_space<semaphore_mem>>, %arg21: memref<!tpu.dma_semaphore, #tpu.memory_space<semaphore_mem>>, %arg22: memref<!tpu.dma_semaphore, #tpu.memory_space<semaphore_mem>>, %arg23: memref<!tpu.dma_semaphore, #tpu.memory_space<semaphore_mem>>) attributes {dimension_semantics = [#tpu.dimension_semantics<core_parallel>, #tpu.dimension_semantics<subcore_parallel>], iteration_bounds = array<i64: 2, 16>, scalar_prefetch = 0 : i64, scratch_operands = 20 : i64, tpu.core_type = #tpu.core_type<sc_vector_subcore>, window_params = [{transform_indices = #map}, {transform_indices = #map}]} {
    %mul3A = arith.constant 2 : i32
    %mul3A_0 = arith.muli %arg1, %mul3A : i32
    %add3A = arith.addi %mul3A_0, %arg0 : i32
    %mul3A_1 = arith.constant 512 : i32
    %mul3A_2 = arith.muli %add3A, %mul3A_1 : i32
    "tpu.region"() ({
      %run_scoped3A = tpu.sem_alloc : memref<!tpu.dma_semaphore, #tpu.memory_space<semaphore_mem>>
      %dma_start3A_159 = tpu.memref_slice %arg2[%mul3A_2] : memref<16384xi32, #tpu.memory_space<hbm>> -> memref<512xi32, #tpu.memory_space<hbm>>
      %dma_start3A_160 = tpu.memref_slice %arg2[%mul3A_2] : memref<16384xi32, #tpu.memory_space<hbm>> -> memref<512xi32, #tpu.memory_space<hbm>>
      tpu.enqueue_dma source(%dma_start3A_160 : memref<512xi32, #tpu.memory_space<hbm>>) target(%arg5 : memref<512xi32, #tpu.memory_space<vmem>>) target_semaphore(%run_scoped3A : memref<!tpu.dma_semaphore, #tpu.memory_space<semaphore_mem>>)
      %dma_wait3A_161 = tpu.memref_slice %arg2[%mul3A_2] : memref<16384xi32, #tpu.memory_space<hbm>> -> memref<512xi32, #tpu.memory_space<hbm>>
      %dma_wait3A_162 = tpu.memref_slice %arg2[%mul3A_2] : memref<16384xi32, #tpu.memory_space<hbm>> -> memref<512xi32, #tpu.memory_space<hbm>>
      tpu.wait_dma2 semaphore(%run_scoped3A : memref<!tpu.dma_semaphore, #tpu.memory_space<semaphore_mem>>) src(%dma_wait3A_162 : memref<512xi32, #tpu.memory_space<hbm>>) dst(%arg5 : memref<512xi32, #tpu.memory_space<vmem>>)
      tpu.yield
    }) : () -> ()
    %broadcast_in_dim3A = arith.constant 0.000000e+00 : f32
    %broadcast_in_dim3A_3 = vector.broadcast %broadcast_in_dim3A : f32 to vector<16xf32>
    %broadcast_in_dim3A_4 = arith.constant 1.000000e+00 : f32
    %broadcast_in_dim3A_5 = vector.broadcast %broadcast_in_dim3A_4 : f32 to vector<16xf32>
    %iota3A = tpu.iota {dimensions = array<i32: 0>} : vector<16xi32>
    %scan3A = arith.constant 0 : i32
    %scan3A_6 = arith.constant 0 : i32
    %scan3A_7 = arith.constant 4 : i32
    %scan3A_8 = arith.addi %scan3A_6, %scan3A_7 : i32
    %scan3A_9 = arith.constant 1 : i32
    scf.for %scan3A_159 = %scan3A_6 to %scan3A_8 step %scan3A_9  : i32 {
      %mul3A_160 = arith.constant 16 : i32
      %mul3A_161 = arith.muli %scan3A_159, %mul3A_160 : i32
      %add3A_162 = arith.constant 0 : i32
      %add3A_163 = arith.addi %mul3A_2, %add3A_162 : i32
      %add3A_164 = arith.addi %add3A_163, %mul3A_161 : i32
      %add3A_165 = vector.broadcast %add3A_164 : i32 to vector<16xi32>
      %add3A_166 = arith.addi %add3A_165, %iota3A : vector<16xi32>
      %mul3A_167 = arith.constant 1000 : i32
      %mul3A_168 = vector.broadcast %mul3A_167 : i32 to vector<16xi32>
      %mul3A_169 = arith.muli %add3A_166, %mul3A_168 : vector<16xi32>
      %add3A_170 = arith.constant 0 : i32
      %add3A_171 = arith.addi %add3A_170, %mul3A_161 : i32
      %get3A = arith.index_cast %add3A_171 : i32 to index
      %get3A_172 = tpu.vector_load %arg5[%get3A] {strides = array<i32>} : memref<512xi32, #tpu.memory_space<vmem>>, vector<16xi32>,
      %get3A_173 = vector.shape_cast %get3A_172 : vector<16xi32> to vector<16xi32>
      %add3A_174 = arith.addi %mul3A_169, %get3A_173 : vector<16xi32>
      %swap3A = arith.index_cast %mul3A_161 : i32 to index
      %swap3A_175 = tpu.vector_load %arg7[%swap3A] {strides = array<i32>} : memref<64xi32, #tpu.memory_space<vmem>>, vector<16xi32>,
      %swap3A_176 = vector.shape_cast %swap3A_175 : vector<16xi32> to vector<16xi32>
      %swap3A_177 = vector.shape_cast %add3A_174 : vector<16xi32> to vector<16xi32>
      tpu.vector_store %arg7[%swap3A], %swap3A_177 {strides = array<i32>} : memref<64xi32, #tpu.memory_space<vmem>>, vector<16xi32>,
    }
    %scan3A_10 = arith.constant 4 : i32
    %scan3A_11 = arith.constant 0 : i32
    %scan3A_12 = arith.constant 0 : i32
    %scan3A_13 = arith.constant 4 : i32
    %scan3A_14 = arith.addi %scan3A_12, %scan3A_13 : i32
    %scan3A_15 = arith.constant 1 : i32
    scf.for %scan3A_159 = %scan3A_12 to %scan3A_14 step %scan3A_15  : i32 {
      %mul3A_160 = arith.constant 16 : i32
      %mul3A_161 = arith.muli %scan3A_159, %mul3A_160 : i32
      %add3A_162 = arith.constant 64 : i32
      %add3A_163 = arith.addi %mul3A_2, %add3A_162 : i32
      %add3A_164 = arith.addi %add3A_163, %mul3A_161 : i32
      %add3A_165 = vector.broadcast %add3A_164 : i32 to vector<16xi32>
      %add3A_166 = arith.addi %add3A_165, %iota3A : vector<16xi32>
      %mul3A_167 = arith.constant 1000 : i32
      %mul3A_168 = vector.broadcast %mul3A_167 : i32 to vector<16xi32>
      %mul3A_169 = arith.muli %add3A_166, %mul3A_168 : vector<16xi32>
      %add3A_170 = arith.constant 64 : i32
      %add3A_171 = arith.addi %add3A_170, %mul3A_161 : i32
      %get3A = arith.index_cast %add3A_171 : i32 to index
      %get3A_172 = tpu.vector_load %arg5[%get3A] {strides = array<i32>} : memref<512xi32, #tpu.memory_space<vmem>>, vector<16xi32>,
      %get3A_173 = vector.shape_cast %get3A_172 : vector<16xi32> to vector<16xi32>
      %add3A_174 = arith.addi %mul3A_169, %get3A_173 : vector<16xi32>
      %swap3A = arith.index_cast %mul3A_161 : i32 to index
      %swap3A_175 = tpu.vector_load %arg8[%swap3A] {strides = array<i32>} : memref<64xi32, #tpu.memory_space<vmem>>, vector<16xi32>,
      %swap3A_176 = vector.shape_cast %swap3A_175 : vector<16xi32> to vector<16xi32>
      %swap3A_177 = vector.shape_cast %add3A_174 : vector<16xi32> to vector<16xi32>
      tpu.vector_store %arg8[%swap3A], %swap3A_177 {strides = array<i32>} : memref<64xi32, #tpu.memory_space<vmem>>, vector<16xi32>,
    }
    %scan3A_16 = arith.constant 4 : i32
    %scan3A_17 = arith.constant 0 : i32
    %scan3A_18 = arith.constant 0 : i32
    %scan3A_19 = arith.constant 4 : i32
    %scan3A_20 = arith.addi %scan3A_18, %scan3A_19 : i32
    %scan3A_21 = arith.constant 1 : i32
    scf.for %scan3A_159 = %scan3A_18 to %scan3A_20 step %scan3A_21  : i32 {
      %mul3A_160 = arith.constant 16 : i32
      %mul3A_161 = arith.muli %scan3A_159, %mul3A_160 : i32
      %add3A_162 = arith.constant 128 : i32
      %add3A_163 = arith.addi %mul3A_2, %add3A_162 : i32
      %add3A_164 = arith.addi %add3A_163, %mul3A_161 : i32
      %add3A_165 = vector.broadcast %add3A_164 : i32 to vector<16xi32>
      %add3A_166 = arith.addi %add3A_165, %iota3A : vector<16xi32>
      %mul3A_167 = arith.constant 1000 : i32
      %mul3A_168 = vector.broadcast %mul3A_167 : i32 to vector<16xi32>
      %mul3A_169 = arith.muli %add3A_166, %mul3A_168 : vector<16xi32>
      %add3A_170 = arith.constant 128 : i32
      %add3A_171 = arith.addi %add3A_170, %mul3A_161 : i32
      %get3A = arith.index_cast %add3A_171 : i32 to index
      %get3A_172 = tpu.vector_load %arg5[%get3A] {strides = array<i32>} : memref<512xi32, #tpu.memory_space<vmem>>, vector<16xi32>,
      %get3A_173 = vector.shape_cast %get3A_172 : vector<16xi32> to vector<16xi32>
      %add3A_174 = arith.addi %mul3A_169, %get3A_173 : vector<16xi32>
      %swap3A = arith.index_cast %mul3A_161 : i32 to index
      %swap3A_175 = tpu.vector_load %arg9[%swap3A] {strides = array<i32>} : memref<64xi32, #tpu.memory_space<vmem>>, vector<16xi32>,
      %swap3A_176 = vector.shape_cast %swap3A_175 : vector<16xi32> to vector<16xi32>
      %swap3A_177 = vector.shape_cast %add3A_174 : vector<16xi32> to vector<16xi32>
      tpu.vector_store %arg9[%swap3A], %swap3A_177 {strides = array<i32>} : memref<64xi32, #tpu.memory_space<vmem>>, vector<16xi32>,
    }
    %scan3A_22 = arith.constant 4 : i32
    %scan3A_23 = arith.constant 0 : i32
    %scan3A_24 = arith.constant 0 : i32
    %scan3A_25 = arith.constant 4 : i32
    %scan3A_26 = arith.addi %scan3A_24, %scan3A_25 : i32
    %scan3A_27 = arith.constant 1 : i32
    scf.for %scan3A_159 = %scan3A_24 to %scan3A_26 step %scan3A_27  : i32 {
      %mul3A_160 = arith.constant 16 : i32
      %mul3A_161 = arith.muli %scan3A_159, %mul3A_160 : i32
      %add3A_162 = arith.constant 192 : i32
      %add3A_163 = arith.addi %mul3A_2, %add3A_162 : i32
      %add3A_164 = arith.addi %add3A_163, %mul3A_161 : i32
      %add3A_165 = vector.broadcast %add3A_164 : i32 to vector<16xi32>
      %add3A_166 = arith.addi %add3A_165, %iota3A : vector<16xi32>
      %mul3A_167 = arith.constant 1000 : i32
      %mul3A_168 = vector.broadcast %mul3A_167 : i32 to vector<16xi32>
      %mul3A_169 = arith.muli %add3A_166, %mul3A_168 : vector<16xi32>
      %add3A_170 = arith.constant 192 : i32
      %add3A_171 = arith.addi %add3A_170, %mul3A_161 : i32
      %get3A = arith.index_cast %add3A_171 : i32 to index
      %get3A_172 = tpu.vector_load %arg5[%get3A] {strides = array<i32>} : memref<512xi32, #tpu.memory_space<vmem>>, vector<16xi32>,
      %get3A_173 = vector.shape_cast %get3A_172 : vector<16xi32> to vector<16xi32>
      %add3A_174 = arith.addi %mul3A_169, %get3A_173 : vector<16xi32>
      %swap3A = arith.index_cast %mul3A_161 : i32 to index
      %swap3A_175 = tpu.vector_load %arg10[%swap3A] {strides = array<i32>} : memref<64xi32, #tpu.memory_space<vmem>>, vector<16xi32>,
      %swap3A_176 = vector.shape_cast %swap3A_175 : vector<16xi32> to vector<16xi32>
      %swap3A_177 = vector.shape_cast %add3A_174 : vector<16xi32> to vector<16xi32>
      tpu.vector_store %arg10[%swap3A], %swap3A_177 {strides = array<i32>} : memref<64xi32, #tpu.memory_space<vmem>>, vector<16xi32>,
    }
    %scan3A_28 = arith.constant 4 : i32
    %scan3A_29 = arith.constant 0 : i32
    %scan3A_30 = arith.constant 0 : i32
    %scan3A_31 = arith.constant 4 : i32
    %scan3A_32 = arith.addi %scan3A_30, %scan3A_31 : i32
    %scan3A_33 = arith.constant 1 : i32
    scf.for %scan3A_159 = %scan3A_30 to %scan3A_32 step %scan3A_33  : i32 {
      %mul3A_160 = arith.constant 16 : i32
      %mul3A_161 = arith.muli %scan3A_159, %mul3A_160 : i32
      %add3A_162 = arith.constant 256 : i32
      %add3A_163 = arith.addi %mul3A_2, %add3A_162 : i32
      %add3A_164 = arith.addi %add3A_163, %mul3A_161 : i32
      %add3A_165 = vector.broadcast %add3A_164 : i32 to vector<16xi32>
      %add3A_166 = arith.addi %add3A_165, %iota3A : vector<16xi32>
      %mul3A_167 = arith.constant 1000 : i32
      %mul3A_168 = vector.broadcast %mul3A_167 : i32 to vector<16xi32>
      %mul3A_169 = arith.muli %add3A_166, %mul3A_168 : vector<16xi32>
      %add3A_170 = arith.constant 256 : i32
      %add3A_171 = arith.addi %add3A_170, %mul3A_161 : i32
      %get3A = arith.index_cast %add3A_171 : i32 to index
      %get3A_172 = tpu.vector_load %arg5[%get3A] {strides = array<i32>} : memref<512xi32, #tpu.memory_space<vmem>>, vector<16xi32>,
      %get3A_173 = vector.shape_cast %get3A_172 : vector<16xi32> to vector<16xi32>
      %add3A_174 = arith.addi %mul3A_169, %get3A_173 : vector<16xi32>
      %swap3A = arith.index_cast %mul3A_161 : i32 to index
      %swap3A_175 = tpu.vector_load %arg11[%swap3A] {strides = array<i32>} : memref<64xi32, #tpu.memory_space<vmem>>, vector<16xi32>,
      %swap3A_176 = vector.shape_cast %swap3A_175 : vector<16xi32> to vector<16xi32>
      %swap3A_177 = vector.shape_cast %add3A_174 : vector<16xi32> to vector<16xi32>
      tpu.vector_store %arg11[%swap3A], %swap3A_177 {strides = array<i32>} : memref<64xi32, #tpu.memory_space<vmem>>, vector<16xi32>,
    }
    %scan3A_34 = arith.constant 4 : i32
    %scan3A_35 = arith.constant 0 : i32
    %scan3A_36 = arith.constant 0 : i32
    %scan3A_37 = arith.constant 4 : i32
    %scan3A_38 = arith.addi %scan3A_36, %scan3A_37 : i32
    %scan3A_39 = arith.constant 1 : i32
    scf.for %scan3A_159 = %scan3A_36 to %scan3A_38 step %scan3A_39  : i32 {
      %mul3A_160 = arith.constant 16 : i32
      %mul3A_161 = arith.muli %scan3A_159, %mul3A_160 : i32
      %add3A_162 = arith.constant 320 : i32
      %add3A_163 = arith.addi %mul3A_2, %add3A_162 : i32
      %add3A_164 = arith.addi %add3A_163, %mul3A_161 : i32
      %add3A_165 = vector.broadcast %add3A_164 : i32 to vector<16xi32>
      %add3A_166 = arith.addi %add3A_165, %iota3A : vector<16xi32>
      %mul3A_167 = arith.constant 1000 : i32
      %mul3A_168 = vector.broadcast %mul3A_167 : i32 to vector<16xi32>
      %mul3A_169 = arith.muli %add3A_166, %mul3A_168 : vector<16xi32>
      %add3A_170 = arith.constant 320 : i32
      %add3A_171 = arith.addi %add3A_170, %mul3A_161 : i32
      %get3A = arith.index_cast %add3A_171 : i32 to index
      %get3A_172 = tpu.vector_load %arg5[%get3A] {strides = array<i32>} : memref<512xi32, #tpu.memory_space<vmem>>, vector<16xi32>,
      %get3A_173 = vector.shape_cast %get3A_172 : vector<16xi32> to vector<16xi32>
      %add3A_174 = arith.addi %mul3A_169, %get3A_173 : vector<16xi32>
      %swap3A = arith.index_cast %mul3A_161 : i32 to index
      %swap3A_175 = tpu.vector_load %arg12[%swap3A] {strides = array<i32>} : memref<64xi32, #tpu.memory_space<vmem>>, vector<16xi32>,
      %swap3A_176 = vector.shape_cast %swap3A_175 : vector<16xi32> to vector<16xi32>
      %swap3A_177 = vector.shape_cast %add3A_174 : vector<16xi32> to vector<16xi32>
      tpu.vector_store %arg12[%swap3A], %swap3A_177 {strides = array<i32>} : memref<64xi32, #tpu.memory_space<vmem>>, vector<16xi32>,
    }
    %scan3A_40 = arith.constant 4 : i32
    %scan3A_41 = arith.constant 0 : i32
    %scan3A_42 = arith.constant 0 : i32
    %scan3A_43 = arith.constant 4 : i32
    %scan3A_44 = arith.addi %scan3A_42, %scan3A_43 : i32
    %scan3A_45 = arith.constant 1 : i32
    scf.for %scan3A_159 = %scan3A_42 to %scan3A_44 step %scan3A_45  : i32 {
      %mul3A_160 = arith.constant 16 : i32
      %mul3A_161 = arith.muli %scan3A_159, %mul3A_160 : i32
      %add3A_162 = arith.constant 384 : i32
      %add3A_163 = arith.addi %mul3A_2, %add3A_162 : i32
      %add3A_164 = arith.addi %add3A_163, %mul3A_161 : i32
      %add3A_165 = vector.broadcast %add3A_164 : i32 to vector<16xi32>
      %add3A_166 = arith.addi %add3A_165, %iota3A : vector<16xi32>
      %mul3A_167 = arith.constant 1000 : i32
      %mul3A_168 = vector.broadcast %mul3A_167 : i32 to vector<16xi32>
      %mul3A_169 = arith.muli %add3A_166, %mul3A_168 : vector<16xi32>
      %add3A_170 = arith.constant 384 : i32
      %add3A_171 = arith.addi %add3A_170, %mul3A_161 : i32
      %get3A = arith.index_cast %add3A_171 : i32 to index
      %get3A_172 = tpu.vector_load %arg5[%get3A] {strides = array<i32>} : memref<512xi32, #tpu.memory_space<vmem>>, vector<16xi32>,
      %get3A_173 = vector.shape_cast %get3A_172 : vector<16xi32> to vector<16xi32>
      %add3A_174 = arith.addi %mul3A_169, %get3A_173 : vector<16xi32>
      %swap3A = arith.index_cast %mul3A_161 : i32 to index
      %swap3A_175 = tpu.vector_load %arg13[%swap3A] {strides = array<i32>} : memref<64xi32, #tpu.memory_space<vmem>>, vector<16xi32>,
      %swap3A_176 = vector.shape_cast %swap3A_175 : vector<16xi32> to vector<16xi32>
      %swap3A_177 = vector.shape_cast %add3A_174 : vector<16xi32> to vector<16xi32>
      tpu.vector_store %arg13[%swap3A], %swap3A_177 {strides = array<i32>} : memref<64xi32, #tpu.memory_space<vmem>>, vector<16xi32>,
    }
    %scan3A_46 = arith.constant 4 : i32
    %scan3A_47 = arith.constant 0 : i32
    %scan3A_48 = arith.constant 0 : i32
    %scan3A_49 = arith.constant 4 : i32
    %scan3A_50 = arith.addi %scan3A_48, %scan3A_49 : i32
    %scan3A_51 = arith.constant 1 : i32
    scf.for %scan3A_159 = %scan3A_48 to %scan3A_50 step %scan3A_51  : i32 {
      %mul3A_160 = arith.constant 16 : i32
      %mul3A_161 = arith.muli %scan3A_159, %mul3A_160 : i32
      %add3A_162 = arith.constant 448 : i32
      %add3A_163 = arith.addi %mul3A_2, %add3A_162 : i32
      %add3A_164 = arith.addi %add3A_163, %mul3A_161 : i32
      %add3A_165 = vector.broadcast %add3A_164 : i32 to vector<16xi32>
      %add3A_166 = arith.addi %add3A_165, %iota3A : vector<16xi32>
      %mul3A_167 = arith.constant 1000 : i32
      %mul3A_168 = vector.broadcast %mul3A_167 : i32 to vector<16xi32>
      %mul3A_169 = arith.muli %add3A_166, %mul3A_168 : vector<16xi32>
      %add3A_170 = arith.constant 448 : i32
      %add3A_171 = arith.addi %add3A_170, %mul3A_161 : i32
      %get3A = arith.index_cast %add3A_171 : i32 to index
      %get3A_172 = tpu.vector_load %arg5[%get3A] {strides = array<i32>} : memref<512xi32, #tpu.memory_space<vmem>>, vector<16xi32>,
      %get3A_173 = vector.shape_cast %get3A_172 : vector<16xi32> to vector<16xi32>
      %add3A_174 = arith.addi %mul3A_169, %get3A_173 : vector<16xi32>
      %swap3A = arith.index_cast %mul3A_161 : i32 to index
      %swap3A_175 = tpu.vector_load %arg14[%swap3A] {strides = array<i32>} : memref<64xi32, #tpu.memory_space<vmem>>, vector<16xi32>,
      %swap3A_176 = vector.shape_cast %swap3A_175 : vector<16xi32> to vector<16xi32>
      %swap3A_177 = vector.shape_cast %add3A_174 : vector<16xi32> to vector<16xi32>
      tpu.vector_store %arg14[%swap3A], %swap3A_177 {strides = array<i32>} : memref<64xi32, #tpu.memory_space<vmem>>, vector<16xi32>,
    }
    %scan3A_52 = arith.constant 4 : i32
    %scan3A_53 = arith.constant 0 : i32
    %scan3A_54 = arith.constant 0 : i32
    %scan3A_55 = arith.constant 4 : i32
    %scan3A_56 = arith.addi %scan3A_54, %scan3A_55 : i32
    %scan3A_57 = arith.constant 1 : i32
    scf.for %scan3A_159 = %scan3A_54 to %scan3A_56 step %scan3A_57  : i32 {
      %mul3A_160 = arith.constant 16 : i32
      %mul3A_161 = arith.muli %scan3A_159, %mul3A_160 : i32
      %swap3A = arith.index_cast %mul3A_161 : i32 to index
      %swap3A_162 = tpu.vector_load %arg6[%swap3A] {strides = array<i32>} : memref<64xf32, #tpu.memory_space<vmem>>, vector<16xf32>,
      %swap3A_163 = vector.shape_cast %swap3A_162 : vector<16xf32> to vector<16xf32>
      %swap3A_164 = vector.shape_cast %broadcast_in_dim3A_5 : vector<16xf32> to vector<16xf32>
      tpu.vector_store %arg6[%swap3A], %swap3A_164 {strides = array<i32>} : memref<64xf32, #tpu.memory_space<vmem>>, vector<16xf32>,
    }
    %scan3A_58 = arith.constant 4 : i32
    %scan3A_59 = arith.constant 0 : i32
    %scan3A_60 = arith.constant 0 : i32
    %scan3A_61 = arith.constant 500 : i32
    %scan3A_62 = arith.addi %scan3A_60, %scan3A_61 : i32
    %scan3A_63 = arith.constant 1 : i32
    scf.for %scan3A_159 = %scan3A_60 to %scan3A_62 step %scan3A_63  : i32 {
      %mul3A_160 = arith.constant 128 : i32
      %mul3A_161 = arith.muli %scan3A_159, %mul3A_160 : i32
      %add3A_162 = arith.constant 0 : i32
      %add3A_163 = arith.addi %mul3A_161, %add3A_162 : i32
      %swap3A = arith.index_cast %add3A_163 : i32 to index
      %swap3A_164 = tpu.vector_load %arg4[%swap3A] {strides = array<i32>} : memref<64000xf32, #tpu.memory_space<vmem>>, vector<16xf32>,
      %swap3A_165 = vector.shape_cast %swap3A_164 : vector<16xf32> to vector<16xf32>
      %swap3A_166 = vector.shape_cast %broadcast_in_dim3A_3 : vector<16xf32> to vector<16xf32>
      tpu.vector_store %arg4[%swap3A], %swap3A_166 {strides = array<i32>} : memref<64000xf32, #tpu.memory_space<vmem>>, vector<16xf32>,
      %add3A_167 = arith.constant 16 : i32
      %add3A_168 = arith.addi %mul3A_161, %add3A_167 : i32
      %swap3A_169 = arith.index_cast %add3A_168 : i32 to index
      %swap3A_170 = tpu.vector_load %arg4[%swap3A_169] {strides = array<i32>} : memref<64000xf32, #tpu.memory_space<vmem>>, vector<16xf32>,
      %swap3A_171 = vector.shape_cast %swap3A_170 : vector<16xf32> to vector<16xf32>
      %swap3A_172 = vector.shape_cast %broadcast_in_dim3A_3 : vector<16xf32> to vector<16xf32>
      tpu.vector_store %arg4[%swap3A_169], %swap3A_172 {strides = array<i32>} : memref<64000xf32, #tpu.memory_space<vmem>>, vector<16xf32>,
      %add3A_173 = arith.constant 32 : i32
      %add3A_174 = arith.addi %mul3A_161, %add3A_173 : i32
      %swap3A_175 = arith.index_cast %add3A_174 : i32 to index
      %swap3A_176 = tpu.vector_load %arg4[%swap3A_175] {strides = array<i32>} : memref<64000xf32, #tpu.memory_space<vmem>>, vector<16xf32>,
      %swap3A_177 = vector.shape_cast %swap3A_176 : vector<16xf32> to vector<16xf32>
      %swap3A_178 = vector.shape_cast %broadcast_in_dim3A_3 : vector<16xf32> to vector<16xf32>
      tpu.vector_store %arg4[%swap3A_175], %swap3A_178 {strides = array<i32>} : memref<64000xf32, #tpu.memory_space<vmem>>, vector<16xf32>,
      %add3A_179 = arith.constant 48 : i32
      %add3A_180 = arith.addi %mul3A_161, %add3A_179 : i32
      %swap3A_181 = arith.index_cast %add3A_180 : i32 to index
      %swap3A_182 = tpu.vector_load %arg4[%swap3A_181] {strides = array<i32>} : memref<64000xf32, #tpu.memory_space<vmem>>, vector<16xf32>,
      %swap3A_183 = vector.shape_cast %swap3A_182 : vector<16xf32> to vector<16xf32>
      %swap3A_184 = vector.shape_cast %broadcast_in_dim3A_3 : vector<16xf32> to vector<16xf32>
      tpu.vector_store %arg4[%swap3A_181], %swap3A_184 {strides = array<i32>} : memref<64000xf32, #tpu.memory_space<vmem>>, vector<16xf32>,
      %add3A_185 = arith.constant 64 : i32
      %add3A_186 = arith.addi %mul3A_161, %add3A_185 : i32
      %swap3A_187 = arith.index_cast %add3A_186 : i32 to index
      %swap3A_188 = tpu.vector_load %arg4[%swap3A_187] {strides = array<i32>} : memref<64000xf32, #tpu.memory_space<vmem>>, vector<16xf32>,
      %swap3A_189 = vector.shape_cast %swap3A_188 : vector<16xf32> to vector<16xf32>
      %swap3A_190 = vector.shape_cast %broadcast_in_dim3A_3 : vector<16xf32> to vector<16xf32>
      tpu.vector_store %arg4[%swap3A_187], %swap3A_190 {strides = array<i32>} : memref<64000xf32, #tpu.memory_space<vmem>>, vector<16xf32>,
      %add3A_191 = arith.constant 80 : i32
      %add3A_192 = arith.addi %mul3A_161, %add3A_191 : i32
      %swap3A_193 = arith.index_cast %add3A_192 : i32 to index
      %swap3A_194 = tpu.vector_load %arg4[%swap3A_193] {strides = array<i32>} : memref<64000xf32, #tpu.memory_space<vmem>>, vector<16xf32>,
      %swap3A_195 = vector.shape_cast %swap3A_194 : vector<16xf32> to vector<16xf32>
      %swap3A_196 = vector.shape_cast %broadcast_in_dim3A_3 : vector<16xf32> to vector<16xf32>
      tpu.vector_store %arg4[%swap3A_193], %swap3A_196 {strides = array<i32>} : memref<64000xf32, #tpu.memory_space<vmem>>, vector<16xf32>,
      %add3A_197 = arith.constant 96 : i32
      %add3A_198 = arith.addi %mul3A_161, %add3A_197 : i32
      %swap3A_199 = arith.index_cast %add3A_198 : i32 to index
      %swap3A_200 = tpu.vector_load %arg4[%swap3A_199] {strides = array<i32>} : memref<64000xf32, #tpu.memory_space<vmem>>, vector<16xf32>,
      %swap3A_201 = vector.shape_cast %swap3A_200 : vector<16xf32> to vector<16xf32>
      %swap3A_202 = vector.shape_cast %broadcast_in_dim3A_3 : vector<16xf32> to vector<16xf32>
      tpu.vector_store %arg4[%swap3A_199], %swap3A_202 {strides = array<i32>} : memref<64000xf32, #tpu.memory_space<vmem>>, vector<16xf32>,
      %add3A_203 = arith.constant 112 : i32
      %add3A_204 = arith.addi %mul3A_161, %add3A_203 : i32
      %swap3A_205 = arith.index_cast %add3A_204 : i32 to index
      %swap3A_206 = tpu.vector_load %arg4[%swap3A_205] {strides = array<i32>} : memref<64000xf32, #tpu.memory_space<vmem>>, vector<16xf32>,
      %swap3A_207 = vector.shape_cast %swap3A_206 : vector<16xf32> to vector<16xf32>
      %swap3A_208 = vector.shape_cast %broadcast_in_dim3A_3 : vector<16xf32> to vector<16xf32>
      tpu.vector_store %arg4[%swap3A_205], %swap3A_208 {strides = array<i32>} : memref<64000xf32, #tpu.memory_space<vmem>>, vector<16xf32>,
    }
    %scan3A_64 = arith.constant 500 : i32
    %add3A_65 = arith.constant 0 : i32
    %add3A_66 = arith.addi %mul3A_2, %add3A_65 : i32
    %mul3A_67 = arith.constant 1000 : i32
    %mul3A_68 = arith.muli %add3A_66, %mul3A_67 : i32
    %dma_start3A = tpu.memref_slice %arg3[%mul3A_68] : memref<16384000xf32, #tpu.memory_space<hbm>> -> memref<64000xf32, #tpu.memory_space<hbm>>
    %dma_start3A_69 = tpu.memref_slice %arg3[%mul3A_68] : memref<16384000xf32, #tpu.memory_space<hbm>> -> memref<64000xf32, #tpu.memory_space<hbm>>
    tpu.enqueue_dma source(%arg4 : memref<64000xf32, #tpu.memory_space<vmem>>) target(%dma_start3A_69 : memref<64000xf32, #tpu.memory_space<hbm>>) target_semaphore(%arg15 : memref<!tpu.dma_semaphore, #tpu.memory_space<semaphore_mem>>)
    %add3A_70 = arith.constant 64 : i32
    %add3A_71 = arith.addi %mul3A_2, %add3A_70 : i32
    %mul3A_72 = arith.constant 1000 : i32
    %mul3A_73 = arith.muli %add3A_71, %mul3A_72 : i32
    %dma_start3A_74 = tpu.memref_slice %arg3[%mul3A_73] : memref<16384000xf32, #tpu.memory_space<hbm>> -> memref<64000xf32, #tpu.memory_space<hbm>>
    %dma_start3A_75 = tpu.memref_slice %arg3[%mul3A_73] : memref<16384000xf32, #tpu.memory_space<hbm>> -> memref<64000xf32, #tpu.memory_space<hbm>>
    tpu.enqueue_dma source(%arg4 : memref<64000xf32, #tpu.memory_space<vmem>>) target(%dma_start3A_75 : memref<64000xf32, #tpu.memory_space<hbm>>) target_semaphore(%arg16 : memref<!tpu.dma_semaphore, #tpu.memory_space<semaphore_mem>>)
    %add3A_76 = arith.constant 128 : i32
    %add3A_77 = arith.addi %mul3A_2, %add3A_76 : i32
    %mul3A_78 = arith.constant 1000 : i32
    %mul3A_79 = arith.muli %add3A_77, %mul3A_78 : i32
    %dma_start3A_80 = tpu.memref_slice %arg3[%mul3A_79] : memref<16384000xf32, #tpu.memory_space<hbm>> -> memref<64000xf32, #tpu.memory_space<hbm>>
    %dma_start3A_81 = tpu.memref_slice %arg3[%mul3A_79] : memref<16384000xf32, #tpu.memory_space<hbm>> -> memref<64000xf32, #tpu.memory_space<hbm>>
    tpu.enqueue_dma source(%arg4 : memref<64000xf32, #tpu.memory_space<vmem>>) target(%dma_start3A_81 : memref<64000xf32, #tpu.memory_space<hbm>>) target_semaphore(%arg17 : memref<!tpu.dma_semaphore, #tpu.memory_space<semaphore_mem>>)
    %add3A_82 = arith.constant 192 : i32
    %add3A_83 = arith.addi %mul3A_2, %add3A_82 : i32
    %mul3A_84 = arith.constant 1000 : i32
    %mul3A_85 = arith.muli %add3A_83, %mul3A_84 : i32
    %dma_start3A_86 = tpu.memref_slice %arg3[%mul3A_85] : memref<16384000xf32, #tpu.memory_space<hbm>> -> memref<64000xf32, #tpu.memory_space<hbm>>
    %dma_start3A_87 = tpu.memref_slice %arg3[%mul3A_85] : memref<16384000xf32, #tpu.memory_space<hbm>> -> memref<64000xf32, #tpu.memory_space<hbm>>
    tpu.enqueue_dma source(%arg4 : memref<64000xf32, #tpu.memory_space<vmem>>) target(%dma_start3A_87 : memref<64000xf32, #tpu.memory_space<hbm>>) target_semaphore(%arg18 : memref<!tpu.dma_semaphore, #tpu.memory_space<semaphore_mem>>)
    %add3A_88 = arith.constant 256 : i32
    %add3A_89 = arith.addi %mul3A_2, %add3A_88 : i32
    %mul3A_90 = arith.constant 1000 : i32
    %mul3A_91 = arith.muli %add3A_89, %mul3A_90 : i32
    %dma_start3A_92 = tpu.memref_slice %arg3[%mul3A_91] : memref<16384000xf32, #tpu.memory_space<hbm>> -> memref<64000xf32, #tpu.memory_space<hbm>>
    %dma_start3A_93 = tpu.memref_slice %arg3[%mul3A_91] : memref<16384000xf32, #tpu.memory_space<hbm>> -> memref<64000xf32, #tpu.memory_space<hbm>>
    tpu.enqueue_dma source(%arg4 : memref<64000xf32, #tpu.memory_space<vmem>>) target(%dma_start3A_93 : memref<64000xf32, #tpu.memory_space<hbm>>) target_semaphore(%arg19 : memref<!tpu.dma_semaphore, #tpu.memory_space<semaphore_mem>>)
    %add3A_94 = arith.constant 320 : i32
    %add3A_95 = arith.addi %mul3A_2, %add3A_94 : i32
    %mul3A_96 = arith.constant 1000 : i32
    %mul3A_97 = arith.muli %add3A_95, %mul3A_96 : i32
    %dma_start3A_98 = tpu.memref_slice %arg3[%mul3A_97] : memref<16384000xf32, #tpu.memory_space<hbm>> -> memref<64000xf32, #tpu.memory_space<hbm>>
    %dma_start3A_99 = tpu.memref_slice %arg3[%mul3A_97] : memref<16384000xf32, #tpu.memory_space<hbm>> -> memref<64000xf32, #tpu.memory_space<hbm>>
    tpu.enqueue_dma source(%arg4 : memref<64000xf32, #tpu.memory_space<vmem>>) target(%dma_start3A_99 : memref<64000xf32, #tpu.memory_space<hbm>>) target_semaphore(%arg20 : memref<!tpu.dma_semaphore, #tpu.memory_space<semaphore_mem>>)
    %add3A_100 = arith.constant 384 : i32
    %add3A_101 = arith.addi %mul3A_2, %add3A_100 : i32
    %mul3A_102 = arith.constant 1000 : i32
    %mul3A_103 = arith.muli %add3A_101, %mul3A_102 : i32
    %dma_start3A_104 = tpu.memref_slice %arg3[%mul3A_103] : memref<16384000xf32, #tpu.memory_space<hbm>> -> memref<64000xf32, #tpu.memory_space<hbm>>
    %dma_start3A_105 = tpu.memref_slice %arg3[%mul3A_103] : memref<16384000xf32, #tpu.memory_space<hbm>> -> memref<64000xf32, #tpu.memory_space<hbm>>
    tpu.enqueue_dma source(%arg4 : memref<64000xf32, #tpu.memory_space<vmem>>) target(%dma_start3A_105 : memref<64000xf32, #tpu.memory_space<hbm>>) target_semaphore(%arg21 : memref<!tpu.dma_semaphore, #tpu.memory_space<semaphore_mem>>)
    %add3A_106 = arith.constant 448 : i32
    %add3A_107 = arith.addi %mul3A_2, %add3A_106 : i32
    %mul3A_108 = arith.constant 1000 : i32
    %mul3A_109 = arith.muli %add3A_107, %mul3A_108 : i32
    %dma_start3A_110 = tpu.memref_slice %arg3[%mul3A_109] : memref<16384000xf32, #tpu.memory_space<hbm>> -> memref<64000xf32, #tpu.memory_space<hbm>>
    %dma_start3A_111 = tpu.memref_slice %arg3[%mul3A_109] : memref<16384000xf32, #tpu.memory_space<hbm>> -> memref<64000xf32, #tpu.memory_space<hbm>>
    tpu.enqueue_dma source(%arg4 : memref<64000xf32, #tpu.memory_space<vmem>>) target(%dma_start3A_111 : memref<64000xf32, #tpu.memory_space<hbm>>) target_semaphore(%arg22 : memref<!tpu.dma_semaphore, #tpu.memory_space<semaphore_mem>>)
    %dma_wait3A = tpu.memref_slice %arg3[%mul3A_68] : memref<16384000xf32, #tpu.memory_space<hbm>> -> memref<64000xf32, #tpu.memory_space<hbm>>
    %dma_wait3A_112 = tpu.memref_slice %arg3[%mul3A_68] : memref<16384000xf32, #tpu.memory_space<hbm>> -> memref<64000xf32, #tpu.memory_space<hbm>>
    tpu.wait_dma2 semaphore(%arg15 : memref<!tpu.dma_semaphore, #tpu.memory_space<semaphore_mem>>) src(%arg4 : memref<64000xf32, #tpu.memory_space<vmem>>) dst(%dma_wait3A_112 : memref<64000xf32, #tpu.memory_space<hbm>>)
    %dma_start3A_113 = arith.constant 0 : i32
    %dma_start3A_114 = tpu.memref_slice %arg3[%dma_start3A_113] : memref<16384000xf32, #tpu.memory_space<hbm>> -> memref<16384000xf32, #tpu.memory_space<hbm>>
    tpu.enqueue_indirect_dma source(%arg6 : memref<64xf32, #tpu.memory_space<vmem>>) target(%dma_start3A_114 : memref<16384000xf32, #tpu.memory_space<hbm>>) offsets(%arg7 : memref<64xi32, #tpu.memory_space<vmem>>) semaphore(%arg23 : memref<!tpu.dma_semaphore, #tpu.memory_space<semaphore_mem>>)
    %dma_wait3A_115 = tpu.memref_slice %arg3[%mul3A_73] : memref<16384000xf32, #tpu.memory_space<hbm>> -> memref<64000xf32, #tpu.memory_space<hbm>>
    %dma_wait3A_116 = tpu.memref_slice %arg3[%mul3A_73] : memref<16384000xf32, #tpu.memory_space<hbm>> -> memref<64000xf32, #tpu.memory_space<hbm>>
    tpu.wait_dma2 semaphore(%arg16 : memref<!tpu.dma_semaphore, #tpu.memory_space<semaphore_mem>>) src(%arg4 : memref<64000xf32, #tpu.memory_space<vmem>>) dst(%dma_wait3A_116 : memref<64000xf32, #tpu.memory_space<hbm>>)
    %dma_start3A_117 = arith.constant 0 : i32
    %dma_start3A_118 = tpu.memref_slice %arg3[%dma_start3A_117] : memref<16384000xf32, #tpu.memory_space<hbm>> -> memref<16384000xf32, #tpu.memory_space<hbm>>
    tpu.enqueue_indirect_dma source(%arg6 : memref<64xf32, #tpu.memory_space<vmem>>) target(%dma_start3A_118 : memref<16384000xf32, #tpu.memory_space<hbm>>) offsets(%arg8 : memref<64xi32, #tpu.memory_space<vmem>>) semaphore(%arg23 : memref<!tpu.dma_semaphore, #tpu.memory_space<semaphore_mem>>)
    %dma_wait3A_119 = tpu.memref_slice %arg3[%mul3A_79] : memref<16384000xf32, #tpu.memory_space<hbm>> -> memref<64000xf32, #tpu.memory_space<hbm>>
    %dma_wait3A_120 = tpu.memref_slice %arg3[%mul3A_79] : memref<16384000xf32, #tpu.memory_space<hbm>> -> memref<64000xf32, #tpu.memory_space<hbm>>
    tpu.wait_dma2 semaphore(%arg17 : memref<!tpu.dma_semaphore, #tpu.memory_space<semaphore_mem>>) src(%arg4 : memref<64000xf32, #tpu.memory_space<vmem>>) dst(%dma_wait3A_120 : memref<64000xf32, #tpu.memory_space<hbm>>)
    %dma_start3A_121 = arith.constant 0 : i32
    %dma_start3A_122 = tpu.memref_slice %arg3[%dma_start3A_121] : memref<16384000xf32, #tpu.memory_space<hbm>> -> memref<16384000xf32, #tpu.memory_space<hbm>>
    tpu.enqueue_indirect_dma source(%arg6 : memref<64xf32, #tpu.memory_space<vmem>>) target(%dma_start3A_122 : memref<16384000xf32, #tpu.memory_space<hbm>>) offsets(%arg9 : memref<64xi32, #tpu.memory_space<vmem>>) semaphore(%arg23 : memref<!tpu.dma_semaphore, #tpu.memory_space<semaphore_mem>>)
    %dma_wait3A_123 = tpu.memref_slice %arg3[%mul3A_85] : memref<16384000xf32, #tpu.memory_space<hbm>> -> memref<64000xf32, #tpu.memory_space<hbm>>
    %dma_wait3A_124 = tpu.memref_slice %arg3[%mul3A_85] : memref<16384000xf32, #tpu.memory_space<hbm>> -> memref<64000xf32, #tpu.memory_space<hbm>>
    tpu.wait_dma2 semaphore(%arg18 : memref<!tpu.dma_semaphore, #tpu.memory_space<semaphore_mem>>) src(%arg4 : memref<64000xf32, #tpu.memory_space<vmem>>) dst(%dma_wait3A_124 : memref<64000xf32, #tpu.memory_space<hbm>>)
    %dma_start3A_125 = arith.constant 0 : i32
    %dma_start3A_126 = tpu.memref_slice %arg3[%dma_start3A_125] : memref<16384000xf32, #tpu.memory_space<hbm>> -> memref<16384000xf32, #tpu.memory_space<hbm>>
    tpu.enqueue_indirect_dma source(%arg6 : memref<64xf32, #tpu.memory_space<vmem>>) target(%dma_start3A_126 : memref<16384000xf32, #tpu.memory_space<hbm>>) offsets(%arg10 : memref<64xi32, #tpu.memory_space<vmem>>) semaphore(%arg23 : memref<!tpu.dma_semaphore, #tpu.memory_space<semaphore_mem>>)
    %dma_wait3A_127 = tpu.memref_slice %arg3[%mul3A_91] : memref<16384000xf32, #tpu.memory_space<hbm>> -> memref<64000xf32, #tpu.memory_space<hbm>>
    %dma_wait3A_128 = tpu.memref_slice %arg3[%mul3A_91] : memref<16384000xf32, #tpu.memory_space<hbm>> -> memref<64000xf32, #tpu.memory_space<hbm>>
    tpu.wait_dma2 semaphore(%arg19 : memref<!tpu.dma_semaphore, #tpu.memory_space<semaphore_mem>>) src(%arg4 : memref<64000xf32, #tpu.memory_space<vmem>>) dst(%dma_wait3A_128 : memref<64000xf32, #tpu.memory_space<hbm>>)
    %dma_start3A_129 = arith.constant 0 : i32
    %dma_start3A_130 = tpu.memref_slice %arg3[%dma_start3A_129] : memref<16384000xf32, #tpu.memory_space<hbm>> -> memref<16384000xf32, #tpu.memory_space<hbm>>
    tpu.enqueue_indirect_dma source(%arg6 : memref<64xf32, #tpu.memory_space<vmem>>) target(%dma_start3A_130 : memref<16384000xf32, #tpu.memory_space<hbm>>) offsets(%arg11 : memref<64xi32, #tpu.memory_space<vmem>>) semaphore(%arg23 : memref<!tpu.dma_semaphore, #tpu.memory_space<semaphore_mem>>)
    %dma_wait3A_131 = tpu.memref_slice %arg3[%mul3A_97] : memref<16384000xf32, #tpu.memory_space<hbm>> -> memref<64000xf32, #tpu.memory_space<hbm>>
    %dma_wait3A_132 = tpu.memref_slice %arg3[%mul3A_97] : memref<16384000xf32, #tpu.memory_space<hbm>> -> memref<64000xf32, #tpu.memory_space<hbm>>
    tpu.wait_dma2 semaphore(%arg20 : memref<!tpu.dma_semaphore, #tpu.memory_space<semaphore_mem>>) src(%arg4 : memref<64000xf32, #tpu.memory_space<vmem>>) dst(%dma_wait3A_132 : memref<64000xf32, #tpu.memory_space<hbm>>)
    %dma_start3A_133 = arith.constant 0 : i32
    %dma_start3A_134 = tpu.memref_slice %arg3[%dma_start3A_133] : memref<16384000xf32, #tpu.memory_space<hbm>> -> memref<16384000xf32, #tpu.memory_space<hbm>>
    tpu.enqueue_indirect_dma source(%arg6 : memref<64xf32, #tpu.memory_space<vmem>>) target(%dma_start3A_134 : memref<16384000xf32, #tpu.memory_space<hbm>>) offsets(%arg12 : memref<64xi32, #tpu.memory_space<vmem>>) semaphore(%arg23 : memref<!tpu.dma_semaphore, #tpu.memory_space<semaphore_mem>>)
    %dma_wait3A_135 = tpu.memref_slice %arg3[%mul3A_103] : memref<16384000xf32, #tpu.memory_space<hbm>> -> memref<64000xf32, #tpu.memory_space<hbm>>
    %dma_wait3A_136 = tpu.memref_slice %arg3[%mul3A_103] : memref<16384000xf32, #tpu.memory_space<hbm>> -> memref<64000xf32, #tpu.memory_space<hbm>>
    tpu.wait_dma2 semaphore(%arg21 : memref<!tpu.dma_semaphore, #tpu.memory_space<semaphore_mem>>) src(%arg4 : memref<64000xf32, #tpu.memory_space<vmem>>) dst(%dma_wait3A_136 : memref<64000xf32, #tpu.memory_space<hbm>>)
    %dma_start3A_137 = arith.constant 0 : i32
    %dma_start3A_138 = tpu.memref_slice %arg3[%dma_start3A_137] : memref<16384000xf32, #tpu.memory_space<hbm>> -> memref<16384000xf32, #tpu.memory_space<hbm>>
    tpu.enqueue_indirect_dma source(%arg6 : memref<64xf32, #tpu.memory_space<vmem>>) target(%dma_start3A_138 : memref<16384000xf32, #tpu.memory_space<hbm>>) offsets(%arg13 : memref<64xi32, #tpu.memory_space<vmem>>) semaphore(%arg23 : memref<!tpu.dma_semaphore, #tpu.memory_space<semaphore_mem>>)
    %dma_wait3A_139 = tpu.memref_slice %arg3[%mul3A_109] : memref<16384000xf32, #tpu.memory_space<hbm>> -> memref<64000xf32, #tpu.memory_space<hbm>>
    %dma_wait3A_140 = tpu.memref_slice %arg3[%mul3A_109] : memref<16384000xf32, #tpu.memory_space<hbm>> -> memref<64000xf32, #tpu.memory_space<hbm>>
    tpu.wait_dma2 semaphore(%arg22 : memref<!tpu.dma_semaphore, #tpu.memory_space<semaphore_mem>>) src(%arg4 : memref<64000xf32, #tpu.memory_space<vmem>>) dst(%dma_wait3A_140 : memref<64000xf32, #tpu.memory_space<hbm>>)
    %dma_start3A_141 = arith.constant 0 : i32
    %dma_start3A_142 = tpu.memref_slice %arg3[%dma_start3A_141] : memref<16384000xf32, #tpu.memory_space<hbm>> -> memref<16384000xf32, #tpu.memory_space<hbm>>
    tpu.enqueue_indirect_dma source(%arg6 : memref<64xf32, #tpu.memory_space<vmem>>) target(%dma_start3A_142 : memref<16384000xf32, #tpu.memory_space<hbm>>) offsets(%arg14 : memref<64xi32, #tpu.memory_space<vmem>>) semaphore(%arg23 : memref<!tpu.dma_semaphore, #tpu.memory_space<semaphore_mem>>)
    %dma_wait3A_143 = arith.constant 0 : i32
    %dma_wait3A_144 = tpu.memref_slice %arg3[%dma_wait3A_143] : memref<16384000xf32, #tpu.memory_space<hbm>> -> memref<16384000xf32, #tpu.memory_space<hbm>>
    tpu.wait_indirect_dma semaphore(%arg23 : memref<!tpu.dma_semaphore, #tpu.memory_space<semaphore_mem>>) src(%arg6 : memref<64xf32, #tpu.memory_space<vmem>>) dst(%dma_wait3A_144 : memref<16384000xf32, #tpu.memory_space<hbm>>)
    %dma_wait3A_145 = arith.constant 0 : i32
    %dma_wait3A_146 = tpu.memref_slice %arg3[%dma_wait3A_145] : memref<16384000xf32, #tpu.memory_space<hbm>> -> memref<16384000xf32, #tpu.memory_space<hbm>>
    tpu.wait_indirect_dma semaphore(%arg23 : memref<!tpu.dma_semaphore, #tpu.memory_space<semaphore_mem>>) src(%arg6 : memref<64xf32, #tpu.memory_space<vmem>>) dst(%dma_wait3A_146 : memref<16384000xf32, #tpu.memory_space<hbm>>)
    %dma_wait3A_147 = arith.constant 0 : i32
    %dma_wait3A_148 = tpu.memref_slice %arg3[%dma_wait3A_147] : memref<16384000xf32, #tpu.memory_space<hbm>> -> memref<16384000xf32, #tpu.memory_space<hbm>>
    tpu.wait_indirect_dma semaphore(%arg23 : memref<!tpu.dma_semaphore, #tpu.memory_space<semaphore_mem>>) src(%arg6 : memref<64xf32, #tpu.memory_space<vmem>>) dst(%dma_wait3A_148 : memref<16384000xf32, #tpu.memory_space<hbm>>)
    %dma_wait3A_149 = arith.constant 0 : i32
    %dma_wait3A_150 = tpu.memref_slice %arg3[%dma_wait3A_149] : memref<16384000xf32, #tpu.memory_space<hbm>> -> memref<16384000xf32, #tpu.memory_space<hbm>>
    tpu.wait_indirect_dma semaphore(%arg23 : memref<!tpu.dma_semaphore, #tpu.memory_space<semaphore_mem>>) src(%arg6 : memref<64xf32, #tpu.memory_space<vmem>>) dst(%dma_wait3A_150 : memref<16384000xf32, #tpu.memory_space<hbm>>)
    %dma_wait3A_151 = arith.constant 0 : i32
    %dma_wait3A_152 = tpu.memref_slice %arg3[%dma_wait3A_151] : memref<16384000xf32, #tpu.memory_space<hbm>> -> memref<16384000xf32, #tpu.memory_space<hbm>>
    tpu.wait_indirect_dma semaphore(%arg23 : memref<!tpu.dma_semaphore, #tpu.memory_space<semaphore_mem>>) src(%arg6 : memref<64xf32, #tpu.memory_space<vmem>>) dst(%dma_wait3A_152 : memref<16384000xf32, #tpu.memory_space<hbm>>)
    %dma_wait3A_153 = arith.constant 0 : i32
    %dma_wait3A_154 = tpu.memref_slice %arg3[%dma_wait3A_153] : memref<16384000xf32, #tpu.memory_space<hbm>> -> memref<16384000xf32, #tpu.memory_space<hbm>>
    tpu.wait_indirect_dma semaphore(%arg23 : memref<!tpu.dma_semaphore, #tpu.memory_space<semaphore_mem>>) src(%arg6 : memref<64xf32, #tpu.memory_space<vmem>>) dst(%dma_wait3A_154 : memref<16384000xf32, #tpu.memory_space<hbm>>)
    %dma_wait3A_155 = arith.constant 0 : i32
    %dma_wait3A_156 = tpu.memref_slice %arg3[%dma_wait3A_155] : memref<16384000xf32, #tpu.memory_space<hbm>> -> memref<16384000xf32, #tpu.memory_space<hbm>>
    tpu.wait_indirect_dma semaphore(%arg23 : memref<!tpu.dma_semaphore, #tpu.memory_space<semaphore_mem>>) src(%arg6 : memref<64xf32, #tpu.memory_space<vmem>>) dst(%dma_wait3A_156 : memref<16384000xf32, #tpu.memory_space<hbm>>)
    %dma_wait3A_157 = arith.constant 0 : i32
    %dma_wait3A_158 = tpu.memref_slice %arg3[%dma_wait3A_157] : memref<16384000xf32, #tpu.memory_space<hbm>> -> memref<16384000xf32, #tpu.memory_space<hbm>>
    tpu.wait_indirect_dma semaphore(%arg23 : memref<!tpu.dma_semaphore, #tpu.memory_space<semaphore_mem>>) src(%arg6 : memref<64xf32, #tpu.memory_space<vmem>>) dst(%dma_wait3A_158 : memref<16384000xf32, #tpu.memory_space<hbm>>)
    return
  }
}

</mosaic_0001>

<sc_bundles>
// kernel: kernel.3.cloned.1.call-start
scs
__scs_entry_jumppad:
0x0: {  	(pc) =	sbr.rel $0x88, $3  }
0x1: {  	(tag) =	ssettag $0x0;
	lr =	simm.s32 $0x1  }
0x2: {  	[smem:$0x3FA0] =	sst lr;
	_ =	strace $0xD0000000  }
0x3: {  	_ = 	snop  }
0x4: {  	_ = 	snop  }
0x5: {  	_ = 	snop  }
0x6: {  	_ = 	snop  }
0x7: {  	_ = 	snop  }
__scs_overlays_trampoline_lowered:
0x8: {  	[smem:$0x3FAF] =	sst s0  }
0x9: {  	[smem:$0x3FB0] =	sst s1  }
0xa: {  	[smem:$0x3FB1] =	sst s2  }
0xb: {  	[smem:$0x3FB2] =	sst s3  }
0xc: {  	[smem:$0x3FB3] =	sst s4  }
0xd: {  	[smem:$0x3FB4] =	sst s5  }
0xe: {  	[smem:$0x3FB5] =	sst s6  }
0xf: {  	[smem:$0x3FB6] =	sst s7  }
0x10: {  	[smem:$0x3FB7] =	sst s8  }
0x11: {  	[smem:$0x3FB8] =	sst s9;
	s0 =	simm.s32 @!p0 $0x0  }
0x12: {  	s1 =	sld [smem:$0x3F9E];
	s0 =	simm.s32 @p0 $0x1  }
0x13: {  	[smem:$0x3FB9] =	sst s0;
	s0 =	simm.s32 @!p1 $0x0  }
0x14: {  	s2 =	sld [smem:$0x3F9D];
	s0 =	simm.s32 @p1 $0x1  }
0x15: {  	[smem:$0x3FBA] =	sst s0;
	s0 =	simm.s32 @!p2 $0x0  }
0x16: {  	s3 =	sld [smem:$0x3FDB];
	s0 =	simm.s32 @p2 $0x1  }
0x17: {  	s4 =	simm.s32 $0x1BF5;
	[smem:$0x3FBC] =	sst s0  }
0x18: {  	s0 =	sld [smem:$0x3F9F];
	_ =	swait.ge [sflag:s4], $0x0  }
0x19: {  	s7 =	sld [smem:$0x3FA0]  }
0x1a: {  	s8 =	sadd.s32 $0xFFFFE003, lr  }
0x1b: {  	s9 =	sadd.s32 $0xFFFFFEF7, lr;
	s5 =	simm.s32 $0xFFFFFFFF;
	p2 =	slt.u32 s8, $0xFFFFF086  }
0x1c: {  	p1 =	slt.u32 s9, $0xF7A;
	s5 =	simm.s32 @!p2 $0x0  }
0x1d: {  	s5 =	simm.s32 @p1 $0x1;
	p0 =	seq.s32 s7, s2  }
0x1e: {  	s7 =	smul.u32 @!p0 $0xF7A, s2;
	p2 =	seq.s32 @!p0 s5, $0x0  }
0x1f: {  	s9 =	smul.u32 $0xF7A, s1;
	s8 =	simm.s32 @!p0 $0x1BF5;
	p2 =	por !p2, p0  }
0x20: {  	[sflag:s8] =	ssyncset.s32 @!p0 $0xFFFFF086;
	s6 =	sadd.s32 @!p0 s3, s7;
	s7 =	simm.s32 @!p0 $0x108  }
0x21: {  	s3 =	sadd.s32 s3, s9;
	s6 =	sadd.s32 @!p0 $0x88, s6;
	s7 =	simm.s32 @p2 $0x1082  }
0x22: {  	[simem:s7], [sflag:s8] =	dma.local @!p0 [hbm:s6], $0xF7A  }
0x23: {  	s9 =	sor.u32 $0xD0000000, s2;
	s6 =	simm.s32 $0x108;
	_ =	swait.ge @!p0 [sflag:s8], $0x0  }
0x24: {  	s3 =	sadd.s32 $0x88, s3;
	s6 =	simm.s32 @!p1 $0x1082;
	[sflag:s4] =	ssyncset.s32 $0xFFFFF086  }
0x25: {  	[simem:s6], [sflag:s4] =	dma.local [hbm:s3], $0xF7A  }
0x26: {  	[smem:$0x3FA0] =	sst s1;
	(tag) =	ssettag s2;
	_ =	strace s9  }
0x27: {  	s1 =	sld [smem:$0x3FB0]  }
0x28: {  	s2 =	sld [smem:$0x3FB1]  }
0x29: {  	s4 =	sld [smem:$0x3FB3]  }
0x2a: {  	p0 =	seq.s32 s5, $0x0;
	s5 =	sld [smem:$0x3FB4]  }
0x2b: {  	s6 =	sld [smem:$0x3FB5]  }
0x2c: {  	s7 =	sld [smem:$0x3FB6]  }
0x2d: {  	s3 =	simm.s32 $0x108;
	s8 =	sld [smem:$0x3FB7]  }
0x2e: {  	s3 =	simm.s32 @!p0 $0x1082;
	s9 =	sld [smem:$0x3FB8]  }
0x2f: {  	lr =	sadd.s32 s0, s3;
	s0 =	sld [smem:$0x3FAF]  }
0x30: {  	s3 =	sld [smem:$0x3FB2]  }
0x31: {  	[smem:$0x3FBB] =	sst s10  }
0x32: {  	s10 =	sld [smem:$0x3FB9];
	_ =	sdelay $0x3  }
0x33: {  	p0 =	seq.s32 s10, $0x1;
	s10 =	sld [smem:$0x3FBB];
	_ =	sdelay $0x3  }
0x34: {  	[smem:$0x3FBB] =	sst s10  }
0x35: {  	s10 =	sld [smem:$0x3FBA];
	_ =	sdelay $0x3  }
0x36: {  	p1 =	seq.s32 s10, $0x1;
	s10 =	sld [smem:$0x3FBB];
	_ =	sdelay $0x3  }
0x37: {  	[smem:$0x3FBB] =	sst s10  }
0x38: {  	s10 =	sld [smem:$0x3FBC]  }
0x39: {  	_ = 	snop;
	(pc) =	sbr.ind lr, $3  }
0x3a: {  	_ = 	snop  }
0x3b: {  	_ = 	snop  }
0x3c: {  	p2 =	seq.s32 s10, $0x1;
	s10 =	sld [smem:$0x3FBB]  }
0x3d: {  	_ =	shalt  }
0x3e: {  	_ =	shalt  }
0x3f: {  	_ =	shalt  }
0x40: {  	_ =	shalt  }
0x41: {  	_ =	shalt  }
0x42: {  	_ =	shalt  }
0x43: {  	_ =	shalt  }
0x44: {  	_ =	shalt  }
0x45: {  	_ =	shalt  }
0x46: {  	_ =	shalt  }
0x47: {  	_ =	shalt  }
0x48: {  	_ =	shalt  }
0x49: {  	_ =	shalt  }
0x4a: {  	_ =	shalt  }
0x4b: {  	_ =	shalt  }
0x4c: {  	_ =	shalt  }
0x4d: {  	_ =	shalt  }
0x4e: {  	_ =	shalt  }
0x4f: {  	_ =	shalt  }
0x50: {  	_ =	shalt  }
0x51: {  	_ =	shalt  }
0x52: {  	_ =	shalt  }
0x53: {  	_ =	shalt  }
0x54: {  	_ =	shalt  }
0x55: {  	_ =	shalt  }
0x56: {  	_ =	shalt  }
0x57: {  	_ =	shalt  }
0x58: {  	_ =	shalt  }
0x59: {  	_ =	shalt  }
0x5a: {  	_ =	shalt  }
0x5b: {  	_ =	shalt  }
0x5c: {  	_ =	shalt  }
0x5d: {  	_ =	shalt  }
0x5e: {  	_ =	shalt  }
0x5f: {  	_ =	shalt  }
0x60: {  	_ =	shalt  }
0x61: {  	_ =	shalt  }
0x62: {  	_ =	shalt  }
0x63: {  	_ =	shalt  }
0x64: {  	_ =	shalt  }
0x65: {  	_ =	shalt  }
0x66: {  	_ =	shalt  }
0x67: {  	_ =	shalt  }
0x68: {  	_ =	shalt  }
0x69: {  	_ =	shalt  }
0x6a: {  	_ =	shalt  }
0x6b: {  	_ =	shalt  }
0x6c: {  	_ =	shalt  }
0x6d: {  	_ =	shalt  }
0x6e: {  	_ =	shalt  }
0x6f: {  	_ =	shalt  }
0x70: {  	_ =	shalt  }
0x71: {  	_ =	shalt  }
0x72: {  	_ =	shalt  }
0x73: {  	_ =	shalt  }
0x74: {  	_ =	shalt  }
0x75: {  	_ =	shalt  }
0x76: {  	_ =	shalt  }
0x77: {  	_ =	shalt  }
0x78: {  	_ =	shalt  }
0x79: {  	_ =	shalt  }
0x7a: {  	_ =	shalt  }
0x7b: {  	_ =	shalt  }
0x7c: {  	_ =	shalt  }
0x7d: {  	_ =	shalt  }
0x7e: {  	_ =	shalt  }
0x7f: {  	_ =	shalt  }
0x80: {  	_ =	shalt  }
0x81: {  	_ =	shalt  }
0x82: {  	_ =	shalt  }
0x83: {  	_ =	shalt  }
0x84: {  	_ =	shalt  }
0x85: {  	_ =	shalt  }
0x86: {  	_ =	shalt  }
0x87: {  	_ =	shalt  }
.Lfunc_end0:
.L_simem_size_0:
called_computation.1_lowered:
.L_overlay_start_0:
0x88: {  	s2 =	sld [smem:$0x3FD9]  }
0x89: {  	s3 =	sld [smem:$0x3FFE];
	_ =	sdelay $0x1  }
0x8a: {  	s1 =	srdreg.scid  }
0x8b: {  	s0 =	sand.u32 $0x1, s1  }
0x8c: {  	s18 =	sshll.u32 s0, $0xA;
	s2 =	sadd.s32 s3, s2  }
0x8d: {  	s2 =	sadd.s32 s2, s18  }
0x8e: {  	[smem:$0x3FC7] =	sst s2  }
0x8f: {  	_ = 	snop  }
0x90: {  	s2 =	sld [smem:$0x3FC9]  }
0x91: {  	s19 =	sld [smem:$0x3FD0];
	(tm) =	ssettm $0x1  }
0x92: {  	s4 =	sld [smem:$0x3FFB];
	_ =	sdelay $0x3  }
0x93: {  	_ =	strace s4  }
0x94: {  	s4 =	sld [smem:$0x3FFC];
	_ =	sdelay $0x3  }
0x95: {  	_ =	strace s4  }
0x96: {  	s4 =	sld [smem:$0x3FFD];
	_ =	sdelay $0x3  }
0x97: {  	_ =	strace s4  }
0x98: {  	_ =	strace $0x8FFFFFFF  }
0x99: {  	s20 =	sld [smem:$0x3FDB];
	_ =	sdelay $0x1  }
0x9a: {  	s5 =	simm.s32 $_scs_section_size  }
0x9b: {  	s6 =	simm.s32 $_size__tile_overlayer_lowered;
	s7 =	simm.s32 $_tile_overlayer_lowered  }
0x9c: {  	s23 =	simm.s32 $0x1BFF;
	s22 =	sshll.u32 s7, $0x1;
	s4 =	sadd.s32 s5, s20  }
0x9d: {  	s8 =	simm.s32 $0x0;
	s21 =	sshll.u32 s6, $0x1;
	s6 =	sadd.s32 s22, s4  }
0x9e: {  	[timem:s8], [sflag:s23] =	dma.local [hbm:s6], s21  }
0x9f: {  	_ =	swait.ge [sflag:s23], s21  }
0xa0: {  	s5 =	ssub.s32 $0x0, s21;
	[sflag:s23] =	ssyncset.done $0x0  }
0xa1: {  	[sflag:s23] =	ssyncadd.s32 s5;
	_ =	sdelay $0x1  }
0xa2: {  	s24 =	simm.s32 $0x1B8B  }
0xa3: {  	_ =	swait.ge [sflag:s24], $0x1  }
0xa4: {  	[sflag:s24] =	ssyncset.done $0x0  }
0xa5: {  	s25 =	simm.s32 $0x1B8E;
	[sflag:s24] =	ssyncadd.s32 $0xFFFFFFFF  }
0xa6: {  	s26 =	simm.s32 $execute0_lowered;
	[smem:$0x3FD2] =	sst s25  }
0xa7: {  	s5 =	sshll.u32 s26, $0x1;
	_ =	strace $0x80000046;
	[dreg:$0x1] =	wrdreg $0xFFFFFFFF  }
0xa8: {  	s28 =	simm.s32 $_size_execute0_lowered;
	s4 =	sadd.s32 s4, s5;
	[dreg:$0x0] =	wrdreg $0x0  }
0xa9: {  	s5 =	sshll.u32 s28, $0x1;
	[dreg:$0x2] =	wrdreg s4  }
0xaa: {  	[dreg:$0x3] =	wrdreg s5  }
0xab: {  	[dreg:$0x4] =	wrdreg $0xC0  }
0xac: {  	_ =	task [dreg:s8], $0x5FFFF  }
0xad: {  	[dreg:$0x1] =	wrdreg $0xFFFFFFFF  }
0xae: {  	[dreg:$0x0] =	wrdreg $0x60  }
0xaf: {  	[dreg:$0x2] =	wrdreg s2  }
0xb0: {  	[dreg:$0x3] =	wrdreg s19  }
0xb1: {  	[dreg:$0x4] =	wrdreg $0x9  }
0xb2: {  	_ =	task.clear_ibuf [dreg:s8], $0x5FFFF;
	_ =	strace $0x90000046  }
0xb3: {  	s29 =	simm.s32 $0x9;
	_ =	strace $0x80000048  }
0xb4: {  	_ =	swait.ge [sflag:s29], $0x1  }
0xb5: {  	[sflag:s29] =	ssyncadd.s32 $0xFFFFFFFF  }
0xb6: {  	_ =	strace $0x90000048  }
0xb7: {  	_ =	sfence  }
0xb8: {  	s30 =	sld [smem:$0x0];
	_ =	sdelay $0x2  }
0xb9: {  	s31 =	sshll.u32 s1, $0xD;
	s1 =	sshrl.u32 s1, $0x2  }
0xba: {  	s3 =	sand.u32 $0x4000, s31;
	s1 =	sadd.s32 s1, s30  }
0xbb: {  	s0 =	sor.u32 s3, s0;
	s1 =	sshll.u32 s1, $0x11  }
0xbc: {  	s0 =	sor.u32 s1, s0  }
0xbd: {  	s0 =	sadd.s32 $0x8F2B, s0  }
0xbe: {  	[sflag:s0] =	ssyncadd.remote.s32 $0x1  }
0xbf: {  	_ =	sfence.sel $0xFFFF  }
0xc0: {  	[dreg:$0x0] =	wrdreg $0xFFFFFFFF;
	(pc) =	sbr.abs _section_cstart, $3  }
0xc1: {  	[dreg:$0x1] =	wrdreg $0xFFFFFFFF  }
0xc2: {  	_ =	task.clear_ibuf [dreg:s8], $0x2FFFF;
	_ =	strace $0x9FFFFFFF  }
0xc3: {  	(tm) =	ssettm $0x7FFFFFFF  }
tec
execute0_lowered:
.L_overlay_start_1:
0x0: {  	(tag) =	ssettag $0x1  }
0x1: {  	s0 =	srdreg.scid;
	s1 =	stileid.u32  }
0x2: {  	s4 =	sand.u32 $0x1, s0;
	s23 =	sshll.u32 s1, $0x1  }
0x3: {  	s1 =	sor.u32 s4, s23  }
0x4: {  	s0 =	sshll.u32 s1, $0x9  }
0x5: {  	v4 =	vlaneseq.u32;
	v33 =	vimm.f32 $0.0e+00;
	v0 =	vmov s0;
	s2 =	sor.u32 $0x10, s0  }
0x6: {  	v31 =	vmul.u32 $0x3E8, v4;
	s24 =	sor.u32 $0x20, s0;
	s3 =	sor.u32 $0x30, s0;
	s25 =	sor.u32 $0x40, s0;
	v0 =	vmul.u32 $0x3E8, v0;
	v1 =	vmov s2  }
0x7: {  	s26 =	sor.u32 $0x50, s0;
	s5 =	sor.u32 $0x70, s0;
	s6 =	sor.u32 $0x80, s0;
	v2 =	vmov s24;
	v3 =	vmov s3;
	v4 =	vmov s25  }
0x8: {  	s7 =	sor.u32 $0x90, s0;
	s8 =	sor.u32 $0xA0, s0;
	s9 =	sor.u32 $0xB0, s0;
	v5 =	vmov s26;
	v7 =	vmov s5;
	v8 =	vmov s6  }
0x9: {  	s10 =	sor.u32 $0xC0, s0;
	s11 =	sor.u32 $0xD0, s0;
	s12 =	sor.u32 $0xE0, s0;
	v9 =	vmov s7;
	v10 =	vmov s8;
	v11 =	vmov s9  }
0xa: {  	s13 =	sor.u32 $0xF0, s0;
	s14 =	sor.u32 $0x100, s0;
	s15 =	sor.u32 $0x110, s0;
	v12 =	vmov s10;
	v13 =	vmov s11;
	v14 =	vmov s12  }
0xb: {  	s16 =	sor.u32 $0x120, s0;
	s17 =	sor.u32 $0x130, s0;
	s18 =	sor.u32 $0x150, s0;
	v15 =	vmov s13;
	v16 =	vmov s14;
	v17 =	vmov s15  }
0xc: {  	s20 =	sor.u32 $0x180, s0;
	s23 =	sor.u32 $0x190, s0;
	v18 =	vmov s16;
	v19 =	vmov s17;
	v21 =	vmov s18  }
0xd: {  	v24 =	vmov s20;
	v25 =	vmov s23;
	v1 =	vmul.u32 $0x3E8, v1  }
0xe: {  	s3 =	sor.u32 $0x60, s0;
	v2 =	vmul.u32 $0x3E8, v2;
	v3 =	vmul.u32 $0x3E8, v3;
	v4 =	vmul.u32 $0x3E8, v4  }
0xf: {  	v5 =	vmul.u32 $0x3E8, v5;
	v6 =	vmov s3;
	v7 =	vmul.u32 $0x3E8, v7  }
0x10: {  	v8 =	vmul.u32 $0x3E8, v8;
	v9 =	vmul.u32 $0x3E8, v9;
	v10 =	vmul.u32 $0x3E8, v10  }
0x11: {  	v11 =	vmul.u32 $0x3E8, v11;
	v12 =	vmul.u32 $0x3E8, v12;
	v13 =	vmul.u32 $0x3E8, v13  }
0x12: {  	v14 =	vmul.u32 $0x3E8, v14;
	v15 =	vmul.u32 $0x3E8, v15;
	v16 =	vmul.u32 $0x3E8, v16  }
0x13: {  	s6 =	sor.u32 $0x140, s0;
	s8 =	sor.u32 $0x160, s0;
	v17 =	vmul.u32 $0x3E8, v17;
	v18 =	vmul.u32 $0x3E8, v18;
	v19 =	vmul.u32 $0x3E8, v19  }
0x14: {  	s9 =	sor.u32 $0x170, s0;
	v20 =	vmov s6;
	v21 =	vmul.u32 $0x3E8, v21;
	v22 =	vmov s8  }
0x15: {  	s11 =	sor.u32 $0x1A0, s0;
	s24 =	sor.u32 $0x1B0, s0;
	v23 =	vmov s9;
	v24 =	vmul.u32 $0x3E8, v24;
	v25 =	vmul.u32 $0x3E8, v25  }
0x16: {  	s25 =	sor.u32 $0x1C0, s0;
	v26 =	vmov s11;
	v27 =	vmov s24;
	v0 =	vbroadcast v0, $0x0  }
0x17: {  	s14 =	sor.u32 $0x1D0, s0;
	v28 =	vmov s25;
	v1 =	vbroadcast v1, $0x0;
	v2 =	vbroadcast v2, $0x0  }
0x18: {  	s26 =	sor.u32 $0x1E0, s0;
	v29 =	vmov s14;
	v3 =	vbroadcast v3, $0x0;
	v4 =	vbroadcast v4, $0x0  }
0x19: {  	s0 =	sor.u32 $0x1F0, s0;
	v30 =	vmov s26;
	v5 =	vbroadcast v5, $0x0;
	v7 =	vbroadcast v7, $0x0  }
0x1a: {  	v32 =	vmov s0;
	v8 =	vbroadcast v8, $0x0;
	v9 =	vbroadcast v9, $0x0  }
0x1b: {  	v6 =	vmul.u32 $0x3E8, v6;
	v10 =	vbroadcast v10, $0x0;
	v11 =	vbroadcast v11, $0x0  }
0x1c: {  	v20 =	vmul.u32 $0x3E8, v20;
	v12 =	vbroadcast v12, $0x0;
	v13 =	vbroadcast v13, $0x0  }
0x1d: {  	v22 =	vmul.u32 $0x3E8, v22;
	v14 =	vbroadcast v14, $0x0;
	v15 =	vbroadcast v15, $0x0  }
0x1e: {  	v23 =	vmul.u32 $0x3E8, v23;
	v16 =	vbroadcast v16, $0x0;
	v17 =	vbroadcast v17, $0x0  }
0x1f: {  	v26 =	vmul.u32 $0x3E8, v26;
	v18 =	vbroadcast v18, $0x0;
	v19 =	vbroadcast v19, $0x0  }
0x20: {  	v27 =	vmul.u32 $0x3E8, v27;
	v21 =	vbroadcast v21, $0x0;
	v24 =	vbroadcast v24, $0x0  }
0x21: {  	v28 =	vmul.u32 $0x3E8, v28;
	v25 =	vbroadcast v25, $0x0;
	v6 =	vbroadcast v6, $0x0  }
0x22: {  	v29 =	vmul.u32 $0x3E8, v29;
	v20 =	vbroadcast v20, $0x0;
	v22 =	vbroadcast v22, $0x0  }
0x23: {  	s28 =	simm.s32 $0xFE80;
	v30 =	vmul.u32 $0x3E8, v30;
	v23 =	vbroadcast v23, $0x0;
	v26 =	vbroadcast v26, $0x0  }
0x24: {  	s29 =	simm.s32 $0x6;
	s30 =	simm.s32 $0xFF00;
	s4 =	ssub.s32 $0x2, s4;
	v32 =	vmul.u32 $0x3E8, v32;
	v27 =	vbroadcast v27, $0x0;
	v28 =	vbroadcast v28, $0x0  }
0x25: {  	s31 =	simm.s32 $0x7;
	s19 =	sshrl.u32 s4, $0x1;
	s5 =	rddreg [dreg:$0x0];
	v0 =	vadd.s32 v31, v0;
	v29 =	vbroadcast v29, $0x0;
	v30 =	vbroadcast v30, $0x0  }
0x26: {  	s2 =	rddreg [dreg:$0x1];
	s7 =	smul.u32 $0x7D000, s1;
	s10 =	sshll.u32 s1, $0x6;
	v32 =	vbroadcast v32, $0x0;
	v1 =	vadd.s32 v31, v1;
	v2 =	vadd.s32 v31, v2  }
0x27: {  	s1 =	smul.u32 $0xFA00, s1;
	s13 =	ssub.s32 s4, s19;
	s15 =	simm.s32 $0xA;
	v3 =	vadd.s32 v31, v3;
	v4 =	vadd.s32 v31, v4;
	v5 =	vadd.s32 v31, v5  }
0x28: {  	s16 =	simm.s32 $0x1;
	s17 =	simm.s32 $0x40;
	s19 =	simm.s32 $0xFC00;
	v7 =	vadd.s32 v31, v7;
	v8 =	vadd.s32 v31, v8;
	v9 =	vadd.s32 v31, v9  }
0x29: {  	s20 =	simm.s32 $0x2;
	s18 =	simm.s32 $0x9;
	s3 =	simm.s32 $0x0;
	v10 =	vadd.s32 v31, v10;
	v11 =	vadd.s32 v31, v11;
	v12 =	vadd.s32 v31, v12  }
0x2a: {  	s4 =	sadd.s32 s5, s10;
	s13 =	smax.u32 s13, $0x1;
	s24 =	simm.s32 $0x4;
	v13 =	vadd.s32 v31, v13;
	v14 =	vadd.s32 v31, v14;
	v15 =	vadd.s32 v31, v15  }
0x2b: {  	s26 =	simm.s32 $0x5;
	s0 =	simm.s32 $0x8;
	s14 =	simm.s32 $0x10000;
	v16 =	vadd.s32 v31, v16;
	v17 =	vadd.s32 v31, v17;
	v18 =	vadd.s32 v31, v18  }
0x2c: {  	[smem:$0x7FF] =	sst s3;
	s21 =	sshrl.u32 s7, $0x3;
	s5 =	sadd.s32 s2, s1;
	v19 =	vadd.s32 v31, v19;
	v21 =	vadd.s32 v31, v21;
	v24 =	vadd.s32 v31, v24  }
0x2d: {  	s1 =	simm.s32 $0xFF80;
	_ =	strace $0x80000047;
	s22 =	sadd.s32 s2, s21;
	v25 =	vadd.s32 v31, v25;
	v6 =	vadd.s32 v31, v6;
	v20 =	vadd.s32 v31, v20  }
0x2e: {  	s21 =	simm.s32 $0x0;
	s6 =	sadd.s32 $0x1F40, s22;
	s7 =	sadd.s32 $0x3E80, s22;
	v22 =	vadd.s32 v31, v22;
	v23 =	vadd.s32 v31, v23;
	v26 =	vadd.s32 v31, v26  }
0x2f: {  	s8 =	sadd.s32 $0x5DC0, s22;
	s9 =	sadd.s32 $0x7D00, s22;
	s10 =	sadd.s32 $0x9C40, s22;
	v27 =	vadd.s32 v31, v27;
	v28 =	vadd.s32 v31, v28;
	v29 =	vadd.s32 v31, v29  }
0x30: {  	s11 =	sadd.s32 $0xBB80, s22;
	s12 =	sadd.s32 $0xDAC0, s22;
	s22 =	simm.s32 $0x3;
	v30 =	vadd.s32 v31, v30;
	v31 =	vadd.s32 v31, v32;
	v32 =	vimm.f32 $1.000000000e+00  }
.LBB2_1:
0x31: {  	s23 =	simm.s32 $0xFA00  }
0x32: {  	[tilespmem:s23], [sflag:$0xA] =	stream.linear.gather [hbm4b:s4+s3], $0x200, $0x38;
	[tilespmem:$0x10080] =	vst v63  }
0x33: {  	_ =	swait.ge [sflag:s15], $0x200  }
0x34: {  	[sflag:s15] =	ssyncset.done $0x0  }
0x35: {  	[sflag:s15] =	ssyncadd.s32 $0xFFFFFE00  }
0x36: {  	v34 =	vld [tilespmem:$0xFA00]  }
0x37: {  	v35 =	vld [tilespmem:$0xFA10]  }
0x38: {  	v36 =	vld [tilespmem:$0xFA20];
	[tilespmem:$0xFC00] =	vst v32  }
0x39: {  	v37 =	vld [tilespmem:$0xFA30];
	[tilespmem:$0xFC10] =	vst v32  }
0x3a: {  	v38 =	vld [tilespmem:$0xFA40];
	[tilespmem:$0xFC20] =	vst v32  }
0x3b: {  	v39 =	vld [tilespmem:$0xFA50];
	[tilespmem:$0xFC30] =	vst v32;
	v34 =	vadd.s32 v34, v0  }
0x3c: {  	v53 =	vld [tilespmem:$0xFA60];
	v52 =	vadd.s32 v35, v1;
	[tilespmem:$0xFC80] =	vst v34  }
0x3d: {  	v55 =	vld [tilespmem:$0xFA70];
	v54 =	vadd.s32 v36, v2;
	[tilespmem:$0xFC90] =	vst v52  }
0x3e: {  	v57 =	vld [tilespmem:$0xFA80];
	v56 =	vadd.s32 v37, v3;
	[tilespmem:$0xFCA0] =	vst v54  }
0x3f: {  	v59 =	vld [tilespmem:$0xFA90];
	v58 =	vadd.s32 v38, v4;
	[tilespmem:$0xFCB0] =	vst v56  }
0x40: {  	v61 =	vld [tilespmem:$0xFAA0];
	v60 =	vadd.s32 v39, v5;
	[tilespmem:$0xFD00] =	vst v58  }
0x41: {  	v63 =	vld [tilespmem:$0xFAB0];
	v62 =	vadd.s32 v53, v6;
	[tilespmem:$0xFD10] =	vst v60  }
0x42: {  	v43 =	vld [tilespmem:$0xFAC0];
	v42 =	vadd.s32 v55, v7;
	[tilespmem:$0xFD20] =	vst v62  }
0x43: {  	v45 =	vld [tilespmem:$0xFAD0];
	v44 =	vadd.s32 v57, v8;
	[tilespmem:$0xFD30] =	vst v42  }
0x44: {  	v47 =	vld [tilespmem:$0xFAE0];
	v46 =	vadd.s32 v59, v9;
	[tilespmem:$0xFD80] =	vst v44  }
0x45: {  	v49 =	vld [tilespmem:$0xFAF0];
	v48 =	vadd.s32 v61, v10;
	[tilespmem:$0xFD90] =	vst v46  }
0x46: {  	v51 =	vld [tilespmem:$0xFB00];
	v50 =	vadd.s32 v63, v11;
	[tilespmem:$0xFDA0] =	vst v48  }
0x47: {  	v53 =	vld [tilespmem:$0xFB10];
	[tilespmem:$0xFDB0] =	vst v50;
	v52 =	vadd.s32 v43, v12  }
0x48: {  	v55 =	vld [tilespmem:$0xFB20];
	v54 =	vadd.s32 v45, v13;
	[tilespmem:$0xFE00] =	vst v52  }
0x49: {  	v57 =	vld [tilespmem:$0xFB30];
	v56 =	vadd.s32 v47, v14;
	[tilespmem:$0xFE10] =	vst v54  }
0x4a: {  	v59 =	vld [tilespmem:$0xFB40];
	v58 =	vadd.s32 v49, v15;
	[tilespmem:$0xFE20] =	vst v56  }
0x4b: {  	v61 =	vld [tilespmem:$0xFB50];
	v60 =	vadd.s32 v51, v16;
	[tilespmem:$0xFE30] =	vst v58  }
0x4c: {  	v63 =	vld [tilespmem:$0xFB60];
	[tilespmem:$0xFE80] =	vst v60;
	v62 =	vadd.s32 v53, v17  }
0x4d: {  	v42 =	vld [tilespmem:$0xFB70];
	v41 =	vadd.s32 v55, v18;
	[tilespmem:$0xFE90] =	vst v62  }
0x4e: {  	v44 =	vld [tilespmem:$0xFB80];
	v43 =	vadd.s32 v57, v19;
	[tilespmem:$0xFEA0] =	vst v41  }
0x4f: {  	v46 =	vld [tilespmem:$0xFB90];
	v45 =	vadd.s32 v59, v20;
	[tilespmem:$0xFEB0] =	vst v43  }
0x50: {  	v48 =	vld [tilespmem:$0xFBA0];
	v47 =	vadd.s32 v61, v21;
	[tilespmem:$0xFF00] =	vst v45  }
0x51: {  	v50 =	vld [tilespmem:$0xFBB0];
	v49 =	vadd.s32 v63, v22;
	[tilespmem:$0xFF10] =	vst v47  }
0x52: {  	v52 =	vld [tilespmem:$0xFBC0];
	[tilespmem:$0xFF20] =	vst v49;
	v51 =	vadd.s32 v42, v23  }
0x53: {  	v54 =	vld [tilespmem:$0xFBD0];
	v53 =	vadd.s32 v44, v24;
	[tilespmem:$0xFF30] =	vst v51  }
0x54: {  	v56 =	vld [tilespmem:$0xFBE0];
	v55 =	vadd.s32 v46, v25;
	[tilespmem:$0xFF80] =	vst v53  }
0x55: {  	v58 =	vld [tilespmem:$0xFBF0];
	v57 =	vadd.s32 v48, v26;
	[tilespmem:$0xFF90] =	vst v55  }
0x56: {  	v59 =	vadd.s32 v50, v27;
	[tilespmem:$0xFFA0] =	vst v57  }
0x57: {  	[tilespmem:$0xFFB0] =	vst v59;
	v60 =	vadd.s32 v52, v28  }
0x58: {  	v61 =	vadd.s32 v54, v29;
	[tilespmem:$0x10000] =	vst v60  }
0x59: {  	v62 =	vadd.s32 v56, v30;
	[tilespmem:$0x10010] =	vst v61  }
0x5a: {  	v63 =	vadd.s32 v58, v31;
	[tilespmem:$0x10020] =	vst v62  }
0x5b: {  	s25 =	simm.s32 $0x200;
	s23 =	simm.s32 $0x0;
	[tilespmem:$0x10030] =	vst v63  }
.LBB2_2:
0x5c: {  	p0 =	sne.s32 s25, $0x3E600;
	[tilespmem:s23+$0x70] =	vst v33  }
0x5d: {  	[tilespmem:s23+$0x0] =	vst v33  }
0x5e: {  	[tilespmem:s23+$0x10] =	vst v33  }
.Ltmp0:
0x5f: {  	[tilespmem:s23+$0x20] =	vst v33;
	(pc) =	sbr.rel @p0 .LBB2_2-.Ltmp0, $4  }
0x60: {  	[tilespmem:s23+$0x30] =	vst v33  }
0x61: {  	[tilespmem:s23+$0x40] =	vst v33  }
0x62: {  	[tilespmem:s23+$0x50] =	vst v33  }
0x63: {  	[tilespmem:s23+$0x60] =	vst v33;
	s23 =	sshra.s32 s25, $0x2;
	s25 =	sadd.s32 $0x200, s25  }
0x64: {  	[tilespmem:s23+$0x70] =	vst v33  }
0x65: {  	[tilespmem:s23+$0x0] =	vst v33  }
0x66: {  	[tilespmem:s23+$0x10] =	vst v33  }
0x67: {  	[tilespmem:s23+$0x20] =	vst v33  }
0x68: {  	[tilespmem:s23+$0x30] =	vst v33  }
0x69: {  	[tilespmem:s23+$0x40] =	vst v33  }
0x6a: {  	[tilespmem:s23+$0x50] =	vst v33  }
0x6b: {  	[tilespmem:s23+$0x60] =	vst v33  }
0x6c: {  	[hbm4b:s5+s3] =	stream.linear.scatter [tilespmem:s3], [sflag:$0x1], $0xFA00, $0x38;
	[tilespmem:$0x10080] =	vst v63  }
0x6d: {  	_ = 	snop  }
0x6e: {  	[hbm4b:s6+s3] =	stream.linear.scatter [tilespmem:s3], [sflag:$0x2], $0xFA00, $0x38;
	[tilespmem:$0x10080] =	vst v63  }
0x6f: {  	_ = 	snop  }
0x70: {  	[hbm4b:s7+s3] =	stream.linear.scatter [tilespmem:s3], [sflag:$0x3], $0xFA00, $0x38;
	[tilespmem:$0x10080] =	vst v63  }
0x71: {  	_ = 	snop  }
0x72: {  	[hbm4b:s8+s3] =	stream.linear.scatter [tilespmem:s3], [sflag:$0x4], $0xFA00, $0x38;
	[tilespmem:$0x10080] =	vst v63  }
0x73: {  	_ = 	snop  }
0x74: {  	[hbm4b:s9+s3] =	stream.linear.scatter [tilespmem:s3], [sflag:$0x5], $0xFA00, $0x38;
	[tilespmem:$0x10080] =	vst v63  }
0x75: {  	_ = 	snop  }
0x76: {  	[hbm4b:s10+s3] =	stream.linear.scatter [tilespmem:s3], [sflag:$0x6], $0xFA00, $0x38;
	[tilespmem:$0x10080] =	vst v63  }
0x77: {  	_ = 	snop  }
0x78: {  	[hbm4b:s11+s3] =	stream.linear.scatter [tilespmem:s3], [sflag:$0x7], $0xFA00, $0x38;
	[tilespmem:$0x10080] =	vst v63  }
0x79: {  	_ = 	snop  }
0x7a: {  	[hbm4b:s12+s3] =	stream.linear.scatter [tilespmem:s3], [sflag:$0x8], $0xFA00, $0x38;
	[tilespmem:$0x10080] =	vst v63  }
0x7b: {  	_ =	swait.ge [sflag:s16], $0xFA00  }
0x7c: {  	[sflag:s16] =	ssyncset.done $0x0  }
0x7d: {  	s25 =	simm.s32 $0xFC80;
	[sflag:s16] =	ssyncadd.s32 $0xFFFF0600  }
0x7e: {  	[hbm4b:s2+s17] =	stream.indirect.scatter [tilespmem:s19], [sflag:$0x9], $0x1, s25, s17, $0xb8;
	[tilespmem:$0x10080] =	vst v63  }
0x7f: {  	_ =	swait.ge [sflag:s20], $0xFA00  }
0x80: {  	[sflag:s20] =	ssyncset.done $0x0  }
0x81: {  	s25 =	simm.s32 $0xFD00;
	[sflag:s20] =	ssyncadd.s32 $0xFFFF0600  }
0x82: {  	[hbm4b:s2+s17] =	stream.indirect.scatter [tilespmem:s19], [sflag:$0x9], $0x1, s25, s17, $0xb8;
	[tilespmem:$0x10080] =	vst v63  }
0x83: {  	_ =	swait.ge [sflag:s22], $0xFA00  }
0x84: {  	[sflag:s22] =	ssyncset.done $0x0  }
0x85: {  	s25 =	simm.s32 $0xFD80;
	[sflag:s22] =	ssyncadd.s32 $0xFFFF0600  }
0x86: {  	[hbm4b:s2+s17] =	stream.indirect.scatter [tilespmem:s19], [sflag:$0x9], $0x1, s25, s17, $0xb8;
	[tilespmem:$0x10080] =	vst v63  }
0x87: {  	_ =	swait.ge [sflag:s24], $0xFA00  }
0x88: {  	[sflag:s24] =	ssyncset.done $0x0  }
0x89: {  	s25 =	simm.s32 $0xFE00;
	[sflag:s24] =	ssyncadd.s32 $0xFFFF0600  }
0x8a: {  	[hbm4b:s2+s17] =	stream.indirect.scatter [tilespmem:s19], [sflag:$0x9], $0x1, s25, s17, $0xb8;
	[tilespmem:$0x10080] =	vst v63  }
0x8b: {  	_ =	swait.ge [sflag:s26], $0xFA00  }
0x8c: {  	[sflag:s26] =	ssyncset.done $0x0  }
0x8d: {  	[sflag:s26] =	ssyncadd.s32 $0xFFFF0600  }
0x8e: {  	[hbm4b:s2+s17] =	stream.indirect.scatter [tilespmem:s19], [sflag:$0x9], $0x1, s28, s17, $0xb8;
	[tilespmem:$0x10080] =	vst v63  }
0x8f: {  	_ =	swait.ge [sflag:s29], $0xFA00  }
0x90: {  	[sflag:s29] =	ssyncset.done $0x0  }
0x91: {  	[sflag:s29] =	ssyncadd.s32 $0xFFFF0600  }
0x92: {  	[hbm4b:s2+s17] =	stream.indirect.scatter [tilespmem:s19], [sflag:$0x9], $0x1, s30, s17, $0xb8;
	[tilespmem:$0x10080] =	vst v63  }
0x93: {  	_ =	swait.ge [sflag:s31], $0xFA00  }
0x94: {  	[sflag:s31] =	ssyncset.done $0x0  }
0x95: {  	[sflag:s31] =	ssyncadd.s32 $0xFFFF0600  }
0x96: {  	[hbm4b:s2+s17] =	stream.indirect.scatter [tilespmem:s19], [sflag:$0x9], $0x1, s1, s17, $0xb8;
	[tilespmem:$0x10080] =	vst v63  }
0x97: {  	_ =	swait.ge [sflag:s0], $0xFA00  }
0x98: {  	[sflag:s0] =	ssyncset.done $0x0  }
0x99: {  	[sflag:s0] =	ssyncadd.s32 $0xFFFF0600  }
0x9a: {  	[hbm4b:s2+s17] =	stream.indirect.scatter [tilespmem:s19], [sflag:$0x9], $0x1, s14, s17, $0xb8;
	[tilespmem:$0x10080] =	vst v63  }
0x9b: {  	_ =	swait.ge [sflag:s18], $0x40  }
0x9c: {  	[sflag:s18] =	ssyncset.done $0x0  }
0x9d: {  	[sflag:s18] =	ssyncadd.s32 $0xFFFFFFC0  }
0x9e: {  	_ =	swait.ge [sflag:s18], $0x40  }
0x9f: {  	[sflag:s18] =	ssyncset.done $0x0  }
0xa0: {  	[sflag:s18] =	ssyncadd.s32 $0xFFFFFFC0  }
0xa1: {  	_ =	swait.ge [sflag:s18], $0x40  }
0xa2: {  	[sflag:s18] =	ssyncset.done $0x0  }
0xa3: {  	[sflag:s18] =	ssyncadd.s32 $0xFFFFFFC0  }
0xa4: {  	_ =	swait.ge [sflag:s18], $0x40  }
0xa5: {  	[sflag:s18] =	ssyncset.done $0x0  }
0xa6: {  	[sflag:s18] =	ssyncadd.s32 $0xFFFFFFC0  }
0xa7: {  	_ =	swait.ge [sflag:s18], $0x40  }
0xa8: {  	[sflag:s18] =	ssyncset.done $0x0  }
0xa9: {  	[sflag:s18] =	ssyncadd.s32 $0xFFFFFFC0  }
0xaa: {  	_ =	swait.ge [sflag:s18], $0x40  }
0xab: {  	[sflag:s18] =	ssyncset.done $0x0  }
0xac: {  	s21 =	sadd.s32 $0x1, s21;
	[sflag:s18] =	ssyncadd.s32 $0xFFFFFFC0  }
0xad: {  	p0 =	sne.s32 s21, s13;
	_ =	swait.ge [sflag:s18], $0x40  }
.Ltmp1:
0xae: {  	[sflag:s18] =	ssyncset.done $0x0;
	(pc) =	sbr.rel @p0 .LBB2_1-.Ltmp1, $4  }
0xaf: {  	[sflag:s18] =	ssyncadd.s32 $0xFFFFFFC0  }
0xb0: {  	_ =	swait.ge [sflag:s18], $0x40  }
0xb1: {  	[sflag:s18] =	ssyncset.done $0x0  }
0xb2: {  	[sflag:s18] =	ssyncadd.s32 $0xFFFFFFC0  }
0xb3: {  	_ =	sfence.sel $0x180000  }
0xb4: {  	[bflag:$0x0] =	sbarrier.arrive $0xFFFF  }
0xb5: {  	_ =	strace $0x90000047  }
0xb6: {  	s0 =	stileid.u32;
	[bflag:$0x2] =	sbarrier.arrive $0xFFFF  }
0xb7: {  	p0 =	sne.s32 s0, $0x0;
	s0 =	rddreg [dreg:$0x2]  }
0xb8: {  	s0 =	sadd.s32 @!p0 $0x100000, s0  }
0xb9: {  	[sflag:s0] =	ssyncadd.tile.s32 @!p0 $0x1;
	_ =	shalt  }
.Lfunc_end2:
_tile_overlayer_lowered:
.L_overlay_start_2:
0xba: {  	(tag) =	ssettag $0x2  }
0xbb: {  	s0 =	rddreg [dreg:$0x0];
	s2 =	stileid.u32  }
0xbc: {  	s1 =	rddreg [dreg:$0x1];
	p0 =	sne.s32 s2, $0x0  }
0xbd: {  	s3 =	rddreg [dreg:$0x2];
	[bflag:$0x3] =	sbarrier.arrive $0xFFFF;
	s2 =	simm.s32 @!p0 $0x1C0A  }
0xbe: {  	[timem:s3], [sflag:s2] =	dma.local @!p0 [hbm:s0], s1  }
0xbf: {  	s0 =	simm.s32 @!p0 $0xA  }
0xc0: {  	_ =	swait.ge @!p0 [sflag:s0], s1  }
0xc1: {  	s1 =	ssub.s32 @!p0 $0x0, s1;
	[sflag:s0] =	ssyncset.done @!p0 $0x0  }
0xc2: {  	[sflag:s0] =	ssyncadd.s32 @!p0 s1  }
0xc3: {  	[bflag:$0x3] =	sbarrier.arrive $0xFFFF  }
0xc4: {  	_ =	shalt  }

// kernel: sparse-core-data-format-call.cloned.1.call-start
scs
called_computation_lowered:
.L_overlay_start_0:
0x0: {  	s2 =	sld [smem:$0x3FD9]  }
0x1: {  	s3 =	sld [smem:$0x3FFE];
	_ =	sdelay $0x1  }
0x2: {  	s1 =	srdreg.scid  }
0x3: {  	s0 =	sand.u32 $0x1, s1  }
0x4: {  	s18 =	sshll.u32 s0, $0xA;
	s2 =	sadd.s32 s3, s2  }
0x5: {  	s2 =	sadd.s32 s2, s18  }
0x6: {  	[smem:$0x3FC7] =	sst s2  }
0x7: {  	_ = 	snop  }
0x8: {  	s2 =	sld [smem:$0x3FD0];
	(tm) =	ssettm $0x1  }
0x9: {  	s19 =	sld [smem:$0x3FFB];
	_ =	sdelay $0x3  }
0xa: {  	_ =	strace s19  }
0xb: {  	s3 =	sld [smem:$0x3FFC];
	_ =	sdelay $0x3  }
0xc: {  	_ =	strace s3  }
0xd: {  	s3 =	sld [smem:$0x3FFD];
	_ =	sdelay $0x3  }
0xe: {  	_ =	strace s3  }
0xf: {  	_ =	strace $0x8FFFFFFF  }
0x10: {  	s20 =	sld [smem:$0x3FDB];
	_ =	sdelay $0x1  }
0x11: {  	s4 =	simm.s32 $_scs_section_size  }
0x12: {  	s5 =	simm.s32 $_size__tile_overlayer_lowered;
	s6 =	simm.s32 $_tile_overlayer_lowered  }
0x13: {  	s23 =	simm.s32 $0x1BFF;
	s22 =	sshll.u32 s6, $0x1;
	s3 =	sadd.s32 s4, s20  }
0x14: {  	s7 =	simm.s32 $0x0;
	s21 =	sshll.u32 s5, $0x1;
	s5 =	sadd.s32 s22, s3  }
0x15: {  	[timem:s7], [sflag:s23] =	dma.local [hbm:s5], s21  }
0x16: {  	_ =	swait.ge [sflag:s23], s21  }
0x17: {  	s4 =	ssub.s32 $0x0, s21;
	[sflag:s23] =	ssyncset.done $0x0  }
0x18: {  	[sflag:s23] =	ssyncadd.s32 s4;
	_ =	sdelay $0x1  }
0x19: {  	s24 =	simm.s32 $0x1B8B  }
0x1a: {  	_ =	swait.ge [sflag:s24], $0x1  }
0x1b: {  	[sflag:s24] =	ssyncset.done $0x0  }
0x1c: {  	s26 =	simm.s32 $0x1B8E;
	s25 =	sld [smem:$0x3FFE];
	[sflag:s24] =	ssyncadd.s32 $0xFFFFFFFF  }
0x1d: {  	s27 =	simm.s32 $execute0_lowered;
	[smem:$0x3FD2] =	sst s26  }
0x1e: {  	s5 =	sshll.u32 s27, $0x1;
	_ =	strace $0x80000049;
	[dreg:$0x1] =	wrdreg $0xFFFFFFFF  }
0x1f: {  	s28 =	simm.s32 $_size_execute0_lowered;
	s3 =	sadd.s32 s3, s5;
	[dreg:$0x0] =	wrdreg $0x0  }
0x20: {  	s5 =	sshll.u32 s28, $0x1;
	[dreg:$0x2] =	wrdreg s3  }
0x21: {  	[dreg:$0x3] =	wrdreg s5  }
0x22: {  	[dreg:$0x4] =	wrdreg $0xC0  }
0x23: {  	_ =	task [dreg:s7], $0x5FFFF  }
0x24: {  	[dreg:$0x1] =	wrdreg $0xFFFFFFFF  }
0x25: {  	[dreg:$0x0] =	wrdreg $0x60  }
0x26: {  	[dreg:$0x2] =	wrdreg s25  }
0x27: {  	[dreg:$0x3] =	wrdreg s2  }
0x28: {  	[dreg:$0x4] =	wrdreg $0x9  }
0x29: {  	_ =	task.clear_ibuf [dreg:s7], $0x5FFFF;
	_ =	strace $0x90000049  }
0x2a: {  	s29 =	simm.s32 $0x9;
	_ =	strace $0x8000004B  }
0x2b: {  	_ =	swait.ge [sflag:s29], $0x1  }
0x2c: {  	[sflag:s29] =	ssyncadd.s32 $0xFFFFFFFF  }
0x2d: {  	_ =	strace $0x9000004B  }
0x2e: {  	_ =	sfence  }
0x2f: {  	s30 =	sld [smem:$0x0];
	_ =	sdelay $0x2  }
0x30: {  	s31 =	sshll.u32 s1, $0xD;
	s1 =	sshrl.u32 s1, $0x2  }
0x31: {  	s3 =	sand.u32 $0x4000, s31;
	s1 =	sadd.s32 s1, s30  }
0x32: {  	s0 =	sor.u32 s3, s0;
	s1 =	sshll.u32 s1, $0x11  }
0x33: {  	s0 =	sor.u32 s1, s0  }
0x34: {  	s0 =	sadd.s32 $0x8F2B, s0  }
0x35: {  	[sflag:s0] =	ssyncadd.remote.s32 $0x1  }
0x36: {  	_ =	sfence.sel $0xFFFF  }
0x37: {  	[dreg:$0x0] =	wrdreg $0xFFFFFFFF;
	(pc) =	sbr.abs _section_cstart, $3  }
0x38: {  	[dreg:$0x1] =	wrdreg $0xFFFFFFFF  }
0x39: {  	_ =	task.clear_ibuf [dreg:s7], $0x2FFFF;
	_ =	strace $0x9FFFFFFF  }
0x3a: {  	(tm) =	ssettm $0x7FFFFFFF  }
0x3b: {  	_ =	shalt  }
tec
execute0_lowered:
.L_overlay_start_1:
0x0: {  	(tag) =	ssettag $0x1  }
0x1: {  	s0 =	srdreg.scid;
	s5 =	rddreg [dreg:$0x0]  }
0x2: {  	s3 =	rddreg [dreg:$0x1];
	s1 =	sshll.u32 s0, $0x4  }
0x3: {  	s7 =	simm.s32 $0x1;
	s0 =	stileid.u32;
	s1 =	sand.u32 $0x10, s1  }
0x4: {  	s8 =	simm.s32 $0x2;
	s15 =	simm.s32 $0x0;
	s1 =	sor.u32 s0, s1  }
0x5: {  	s14 =	simm.s32 $0x0;
	s9 =	simm.s32 $0x0;
	s2 =	sshll.u32 s1, $0x7  }
0x6: {  	s10 =	simm.s32 $0x0;
	s11 =	simm.s32 $0x0;
	s6 =	ssub.s32 $0x4000, s2  }
0x7: {  	s13 =	simm.s32 $0x0;
	s5 =	sadd.s32 $0x800, s5;
	s4 =	sand.u32 $0xF80, s6  }
.Ltmp0:
0x8: {  	s1 =	rddreg [dreg:$0x2];
	p0 =	sne.s32 s4, $0x0;
	(pc) =	sbr.rel .LBB1_1-.Ltmp0, $4  }
0x9: {  	_ =	strace $0x8000004A;
	s6 =	sshrl.u32 s6, $0xC;
	s7 =	simm.s32 @!p0 $0x0  }
0xa: {  	s12 =	smov.u32 s2;
	s4 =	simm.s32 $0x1;
	s6 =	sadd.s32 s7, s6  }
0xb: {  	[sflag:s4] =	ssyncpa.u1 $0x0;
	p0 =	por $0x0, $0x0;
	s6 =	sshll.u32 s6, $0x3  }
0xc: {  	[sflag:s8] =	ssyncpa.u1 $0x0;
	s8 =	simm.s32 $0x20000;
	s7 =	sor.u32 $0x1, s6  }
.LBB1_4:
0xd: {  	s20 =	sshra.s32 s20, $0x2  }
0xe: {  	s28 =	sand.u32 $0x78, s10;
	s21 =	sshll.u32 s9, $0xE;
	s22 =	sshll.u32 s10, $0x3  }
0xf: {  	s24 =	sshll.u32 s9, $0x7;
	p1 =	sgt.s32 s9, $0x368;
	s30 =	sshra.s32 s9, $0x1F  }
0x10: {  	s26 =	sshra.s32 s10, $0x1F;
	s19 =	sadd.s32 s20, s19;
	s21 =	sand.u32 $0xFFFE0000, s21  }
0x11: {  	v5 =	vld [tilespmem:s17+$0xFFFFFFD0];
	[tilespmem:s18+$0x2040 ss:$0x81] =	vst.msk $0xffff, v4;
	s23 =	sand.u32 $0xFFFFFC00, s22;
	s29 =	sand.u32 $0x380, s24;
	s22 =	sand.u32 $0x3C00, s22  }
0x12: {  	v58 =	vld [tilespmem:s17+$0xFFFFFFE0];
	[tilespmem:s18+$0x2850 ss:$0x81] =	vst.msk $0xffff, v3;
	s21 =	sadd.s32 s23, s21;
	s20 =	sor.u32 s28, s22;
	s22 =	smov.u32 s9  }
0x13: {  	v59 =	vld [tilespmem:s17+$0xFFFFFFF0];
	[tilespmem:s18+$0x3060 ss:$0x81] =	vst.msk $0xffff, v2;
	s24 =	sand.u32 s30, s9;
	s21 =	sshrl.u32 s21, $0xE;
	s22 =	simm.s32 @!p1 $0x368  }
0x14: {  	v60 =	vld [tilespmem:s17+$0x0];
	[tilespmem:s18+$0x0 ss:$0x81] =	vst.msk $0xffff, v1;
	p1 =	sgt.s32 s10, $0x3F80;
	s31 =	ssub.s32 s22, s24;
	s22 =	smov.u32 s10  }
0x15: {  	v61 =	vld [tilespmem:s17+$0x10];
	[tilespmem:s19+$0x3870 ss:$0x81] =	vst.msk $0xffff, v0;
	s25 =	smulhi.u32 $0x418938, s21;
	s24 =	sand.u32 s26, s10;
	s22 =	simm.s32 @!p1 $0x3F80  }
0x16: {  	v62 =	vld [tilespmem:s17+$0x20];
	s20 =	sor.u32 s29, s20;
	[tilespmem:s19+$0x810 ss:$0x81] =	vst.msk $0xffff, v5;
	s27 =	sadd.s32 $0xFFFFFC98, s31;
	s22 =	ssub.s32 s22, s24  }
0x17: {  	v63 =	vld [tilespmem:s17+$0xFFFFFFC0];
	[tilespmem:s19+$0x1020 ss:$0x81] =	vst.msk $0xffff, v58;
	s18 =	ssub.s32 $0x3E8, s31;
	s28 =	smul.u32 $0x3E8, s25;
	s29 =	sadd.s32 $0xFFFFC080, s22  }
0x18: {  	[tilespmem:s19+$0x1830 ss:$0x81] =	vst.msk $0xffff, v59;
	p1 =	sgt.s32 s27, $0x7F;
	s22 =	ssub.s32 $0x4000, s22;
	p2 =	sgt.s32 s29, $0x7F  }
0x19: {  	s30 =	sand.u32 $0x7, s10;
	[tilespmem:s19+$0x2040 ss:$0x81] =	vst.msk $0xffff, v60;
	s18 =	simm.s32 @p1 $0x0;
	s22 =	simm.s32 @p2 $0x0  }
0x1a: {  	s20 =	sshrl.u32 s20, $0x3;
	[tilespmem:s19+$0x2850 ss:$0x81] =	vst.msk $0xffff, v61;
	s17 =	ssub.s32 s21, s28;
	s18 =	smul.u32 s22, s18  }
0x1b: {  	[tilespmem:s19+$0x3060 ss:$0x81] =	vst.msk $0xffff, v62;
	s20 =	sadd.s32 s3, s20;
	s21 =	sshll.u32 s30, $0x12;
	s17 =	sshll.u32 s17, $0xB  }
0x1c: {  	[tilespmem:s19+$0x0 ss:$0x81] =	vst.msk $0xffff, v63;
	s31 =	sor.u32 $0x400, s21;
	s17 =	sadd.s32 s17, s20;
	s18 =	sand.u32 $0x3FFFFFFF, s18  }
0x1d: {  	[hbm4b:s17+s31] =	stream.strided.scatter [tilespmem:s16], [sflag:$0x2], s18, s8, s31, $0x20;
	[tilespmem:$0x10100] =	vst v63  }
.LBB1_5:
0x1e: {  	p1 =	slt.u32 s13, $0x2  }
0x1f: {  	s17 =	smov.u32 s15;
	p2 =	sgt.s32 @!p1 s15, $0x368;
	s16 =	sshra.s32 @!p1 s15, $0x1F  }
0x20: {  	p3 =	sgt.s32 @!p1 s14, $0x3F80;
	s18 =	sshra.s32 @!p1 s14, $0x1F;
	p2 =	por !p2, p1  }
0x21: {  	s15 =	sand.u32 @!p1 s16, s15;
	p3 =	por !p3, p1;
	s16 =	smov.u32 s14  }
0x22: {  	s14 =	sand.u32 @!p1 s18, s14;
	s17 =	simm.s32 @p2 $0x368;
	s16 =	simm.s32 @p3 $0x3F80  }
0x23: {  	s15 =	ssub.s32 @!p1 s17, s15;
	s14 =	ssub.s32 @!p1 s16, s14  }
0x24: {  	s18 =	smov.u32 s12;
	s16 =	sadd.s32 @!p1 $0xFFFFFC98, s15;
	s17 =	sadd.s32 @!p1 $0xFFFFC080, s14  }
0x25: {  	s15 =	ssub.s32 @!p1 $0x3E8, s15;
	p2 =	sgt.s32 @!p1 s16, $0x7F;
	p3 =	sgt.s32 @!p1 s17, $0x7F  }
0x26: {  	s14 =	ssub.s32 @!p1 $0x4000, s14;
	p2 =	por !p2, p1;
	p3 =	por !p3, p1  }
0x27: {  	s16 =	sadd.s32 $0x80, s11;
	s15 =	simm.s32 @!p2 $0x0;
	s14 =	simm.s32 @!p3 $0x0  }
0x28: {  	p2 =	sgt.s32 s16, $0x3E7;
	s14 =	smul.u32 @!p1 s14, s15;
	s15 =	sadd.s32 $0x1000, s12  }
0x29: {  	s18 =	smov.u32 @p2 s15  }
0x2a: {  	s16 =	simm.s32 @p2 $0x0;
	p2 =	sgt.s32 s18, $0x3FFF  }
0x2b: {  	s18 =	smov.u32 @p2 s2;
	p2 =	sne.s32 s13, s7  }
.Ltmp1:
0x2c: {  	p0 =	por !p0, !p0;
	s17 =	simm.s32 @!p1 $0x2;
	(pc) =	sbr.rel @!p2 .LBB1_6-.Ltmp1, $4  }
0x2d: {  	s15 =	smov.u32 s9;
	s9 =	smov.u32 s11;
	s14 =	sand.u32 @!p1 $0x3FFFFFFF, s14  }
0x2e: {  	s11 =	smov.u32 s16;
	_ =	swait.ge @!p1 [sflag:s17], s14;
	s19 =	ssub.s32 @!p1 $0x0, s14  }
0x2f: {  	s14 =	smov.u32 s10;
	s13 =	sadd.s32 $0x1, s13;
	[sflag:s17] =	ssyncset.done @!p1 $0x0  }
0x30: {  	s10 =	smov.u32 s12;
	s12 =	smov.u32 s18;
	[sflag:s17] =	ssyncadd.s32 @!p1 s19  }
.LBB1_1:
0x31: {  	p1 =	sge.u32 s13, s6  }
0x32: {  	s31 =	sadd.s32 $0xFFFFFFFF, s13;
	s16 =	sshll.u32 @!p1 s12, $0xA  }
0x33: {  	s17 =	sshll.u32 @!p1 s11, $0x3;
	s18 =	sshll.u32 @!p1 s12, $0x7;
	s16 =	sand.u32 @!p1 $0xFFE000, s16  }
0x34: {  	s19 =	sand.u32 @!p1 $0x78, s11;
	s16 =	sadd.s32 @!p1 s16, s17;
	s17 =	sand.u32 @!p1 $0x380, s18  }
0x35: {  	s18 =	sxor.u32 @!p1 $0xFFFFFFFF, s13;
	s16 =	sand.u32 @!p1 $0xFFFC00, s16;
	s17 =	sor.u32 @!p1 s17, s19  }
0x36: {  	s18 =	sshll.u32 @!p1 s18, $0xE;
	s16 =	sor.u32 @!p1 s16, s17;
	s17 =	sand.u32 @!p1 $0x7, s11  }
0x37: {  	s19 =	simm.s32 @!p1 $0x2000;
	s16 =	sshrl.u32 @!p1 s16, $0x3;
	s17 =	sshll.u32 @!p1 s17, $0x12  }
0x38: {  	s18 =	sand.u32 @!p1 $0x4000, s18;
	s16 =	sadd.s32 @!p1 s5, s16;
	s17 =	sor.u32 @!p1 $0x400, s17  }
0x39: {  	[tilespmem:s18], [sflag:$0x1] =	stream.strided.gather @!p1 [hbm4b:s16+s17], $0x4000, s19, s17, $0x38;
	[tilespmem:$0x10100] =	vst v63  }
0x3a: {  	p1 =	sge.u32 s31, s6  }
.Ltmp2:
0x3b: {  	_ = 	snop;
	(pc) =	sbr.rel @p1 .LBB1_5-.Ltmp2, $1  }
0x3c: {  	_ =	sdelay $0x3  }
0x3d: {  	s16 =	simm.s32 $0x1  }
0x3e: {  	_ =	swait.ge [sflag:s4], $0x4000;
	s16 =	simm.s32 @!p0 $0x0  }
0x3f: {  	[sflag:s4] =	ssyncset.done $0x0;
	s17 =	sshll.u32 s16, $0xE  }
0x40: {  	[sflag:s4] =	ssyncadd.s32 $0xFFFFC000;
	s17 =	sor.u32 $0x40, s17  }
0x41: {  	s16 =	smul.u32 $0x10200, s16;
	v0 =	vld [tilespmem:s17+$0x30]  }
0x42: {  	v1 =	vld [tilespmem:s17+$0xFFFFFFD0]  }
0x43: {  	s16 =	sshrl.u32 s16, $0x2;
	v5 =	vld [tilespmem:s17+$0xFFFFFFE0]  }
0x44: {  	v6 =	vld [tilespmem:s17+$0xFFFFFFF0];
	s19 =	sor.u32 $0x8000, s16  }
0x45: {  	s31 =	sand.u32 $0x1, s13;
	v4 =	vld [tilespmem:s17+$0x0];
	s18 =	sadd.s32 $0x0, s19  }
0x46: {  	v3 =	vld [tilespmem:s17+$0x10];
	s16 =	smul.u32 $0x10200, s31;
	[tilespmem:s18+$0x3870 ss:$0x81] =	vst.msk $0xffff, v0  }
0x47: {  	v2 =	vld [tilespmem:s17+$0x20];
	[tilespmem:s18+$0x810 ss:$0x81] =	vst.msk $0xffff, v1  }
0x48: {  	s16 =	sshrl.u32 s16, $0x2;
	v1 =	vld [tilespmem:s17+$0xFFFFFFC0];
	[tilespmem:s18+$0x1020 ss:$0x81] =	vst.msk $0xffff, v5;
	s17 =	sadd.s32 $0x80, s17  }
0x49: {  	s20 =	simm.s32 $0x4;
	s21 =	simm.s32 $0x8;
	s16 =	sor.u32 $0x8000, s16;
	[tilespmem:s18+$0x1830 ss:$0x81] =	vst.msk $0xffff, v6;
	v0 =	vld [tilespmem:s17+$0x30]  }
.LBB1_3:
0x4a: {  	p1 =	sne.s32 s21, $0x1FC;
	v5 =	vld [tilespmem:s17+$0xFFFFFFD0];
	[tilespmem:s18+$0x2040 ss:$0x81] =	vst.msk $0xffff, v4  }
0x4b: {  	v6 =	vld [tilespmem:s17+$0xFFFFFFE0];
	[tilespmem:s18+$0x2850 ss:$0x81] =	vst.msk $0xffff, v3  }
0x4c: {  	s22 =	sshra.s32 s20, $0x2;
	s20 =	smov.u32 s21;
	v7 =	vld [tilespmem:s17+$0xFFFFFFF0];
	[tilespmem:s18+$0x3060 ss:$0x81] =	vst.msk $0xffff, v2  }
.Ltmp3:
0x4d: {  	v4 =	vld [tilespmem:s17+$0x0];
	[tilespmem:s18+$0x0 ss:$0x81] =	vst.msk $0xffff, v1;
	s18 =	sadd.s32 s22, s19;
	(pc) =	sbr.rel @p1 .LBB1_3-.Ltmp3, $4  }
0x4e: {  	v3 =	vld [tilespmem:s17+$0x10];
	[tilespmem:s18+$0x3870 ss:$0x81] =	vst.msk $0xffff, v0  }
0x4f: {  	[tilespmem:s18+$0x810 ss:$0x81] =	vst.msk $0xffff, v5;
	v2 =	vld [tilespmem:s17+$0x20]  }
0x50: {  	v1 =	vld [tilespmem:s17+$0xFFFFFFC0];
	[tilespmem:s18+$0x1020 ss:$0x81] =	vst.msk $0xffff, v6;
	s17 =	sadd.s32 $0x80, s17  }
0x51: {  	s21 =	sadd.s32 $0x4, s21;
	v0 =	vld [tilespmem:s17+$0x30];
	[tilespmem:s18+$0x1830 ss:$0x81] =	vst.msk $0xffff, v7  }
.Ltmp4:
0x52: {  	_ = 	snop;
	(pc) =	sbr.rel .LBB1_4-.Ltmp4, $1  }
0x53: {  	_ =	sdelay $0x3  }
.LBB1_6:
0x54: {  	_ =	sfence.sel $0x180000  }
0x55: {  	s2 =	simm.s32 $0x1;
	[bflag:$0x0] =	sbarrier.arrive $0xFFFF  }
0x56: {  	s31 =	simm.s32 $0x2;
	[sflag:s2] =	ssyncpa.u1 $0x1  }
0x57: {  	[sflag:s31] =	ssyncpa.u1 $0x1  }
0x58: {  	p0 =	sne.s32 s0, $0x0;
	_ =	strace $0x9000004A  }
0x59: {  	s0 =	sadd.s32 @!p0 $0x100000, s1;
	[bflag:$0x2] =	sbarrier.arrive $0xFFFF  }
0x5a: {  	[sflag:s0] =	ssyncadd.tile.s32 @!p0 $0x1;
	_ =	shalt  }
.Lfunc_end1:
_tile_overlayer_lowered:
.L_overlay_start_2:
0x5b: {  	(tag) =	ssettag $0x2  }
0x5c: {  	s0 =	rddreg [dreg:$0x0];
	s2 =	stileid.u32  }
0x5d: {  	s1 =	rddreg [dreg:$0x1];
	p0 =	sne.s32 s2, $0x0  }
0x5e: {  	s3 =	rddreg [dreg:$0x2];
	[bflag:$0x3] =	sbarrier.arrive $0xFFFF;
	s2 =	simm.s32 @!p0 $0x1C01  }
0x5f: {  	[timem:s3], [sflag:s2] =	dma.local @!p0 [hbm:s0], s1  }
0x60: {  	s0 =	simm.s32 @!p0 $0x1  }
0x61: {  	_ =	swait.ge @!p0 [sflag:s0], s1  }
0x62: {  	s1 =	ssub.s32 @!p0 $0x0, s1;
	[sflag:s0] =	ssyncset.done @!p0 $0x0  }
0x63: {  	[sflag:s0] =	ssyncadd.s32 @!p0 s1  }
0x64: {  	[bflag:$0x3] =	sbarrier.arrive $0xFFFF  }
0x65: {  	_ =	shalt  }

</sc_bundles>
